<compile_context>
chip_gen: v7x
topology: tpu7x:2x2x1
jax: 0.10.2.dev20260603
libtpu: 0.0.44.dev20260713+nightly
codegen_flags: <defaults>
</compile_context>

<pallas_src>
import jax
import jax.numpy as jnp
from jax.experimental import pallas as pl
from jax.experimental.pallas import tpu as pltpu
from jax.experimental.pallas import tpu_sc as plsc

B = 1024
D = 768
FD = 768
BANK = 1000
NEG = -1e30
SUB = FD // 128
GWS = 256


def _dot(a, b, dims):
    return jax.lax.dot_general(a, b, (dims, ((), ())),
                               precision=jax.lax.Precision.DEFAULT,
                               preferred_element_type=jnp.float32)


def _proj_prep_kernel(mi_ref, x_ref, w_ref, b_ref, proj_ref, src_ref):
    m = pl.program_id(0)
    t = m + 1
    mi = mi_ref[...]
    missing_row = (mi == t)
    avail_row = jnp.where(missing_row, 0.0, 1.0)

    proj = _dot(x_ref[0], w_ref[0], (((1,), (0,)))) + b_ref[0]
    for a in range(SUB):
        proj_ref[0, a] = proj[:, 128 * a:128 * (a + 1)]

    ii = jax.lax.broadcasted_iota(jnp.int32, (B, B), 0)
    jj = jax.lax.broadcasted_iota(jnp.int32, (B, B), 1)
    triu = jnp.where(ii <= jj, 1.0, 0.0)
    csum = _dot(avail_row, triu, (((1,), (0,))))
    A = jnp.sum(avail_row, keepdims=True)
    off = jnp.maximum(A - BANK, 0.0)

    slot = csum - 1.0 - off
    pidx = ii.astype(jnp.float32)
    P = jnp.where((pidx == slot) & (avail_row > 0.0), 1.0, 0.0)

    iotaf = jax.lax.broadcasted_iota(jnp.int32, (B, 1), 0).astype(jnp.float32)
    srcf = jnp.sum(P * jj.astype(jnp.float32), axis=1, keepdims=True)
    has = jnp.sum(P, axis=1, keepdims=True)
    srcf = srcf + (1.0 - has) * iotaf
    srcT = jnp.transpose(srcf)
    base = (m * (SUB * B)).astype(jnp.float32)
    src_ref[0] = jnp.concatenate(
        [srcT + (base + float(a * B)) for a in range(SUB)],
        axis=1).astype(jnp.int32)


def _sc_gather(table, idx):
    n = idx.shape[1]
    mesh = plsc.VectorSubcoreMesh(core_axis_name="core",
                                  subcore_axis_name="subcore")

    @pl.kernel(out_type=jax.ShapeDtypeStruct((n, 128), jnp.float32),
               mesh=mesh)
    def k(tab_hbm, i_hbm, o_hbm):
        def body(i_vmem, o_vmem):
            pltpu.sync_copy(tab_hbm.at[i_vmem.at[0]], o_vmem)

        pltpu.emit_pipeline(
            body,
            grid=(n // GWS,),
            in_specs=[pl.BlockSpec((1, GWS), index_map=lambda i: (0, i))],
            out_specs=[pl.BlockSpec((GWS, 128), index_map=lambda i: (i, 0))],
            core_axis_name=("core", "subcore"),
            dimension_semantics=(pltpu.PARALLEL,),
        )(i_hbm, o_hbm)

    return k(table, idx)


def _main_kernel(mi_ref, fb_ref, proj_ref, w1_ref, b1_ref, w2_ref, b2_ref,
                 out_ref, acc_ref):
    m = pl.program_id(0)
    t = m + 1
    mi = mi_ref[...]
    missing_row = (mi == t)
    avail_row = jnp.where(missing_row, 0.0, 1.0)
    A = jnp.sum(avail_row, keepdims=True)
    Ae = jnp.minimum(A, float(BANK))
    jj = jax.lax.broadcasted_iota(jnp.int32, (B, B), 1)

    proj = jnp.concatenate([proj_ref[0, a] for a in range(SUB)], axis=1)
    Fb = jnp.concatenate([fb_ref[0, a] for a in range(SUB)], axis=1)

    nrm2 = jnp.sum(Fb * Fb, axis=1, keepdims=True)
    nrm = jnp.sqrt(nrm2)
    dotm = _dot(Fb, Fb, (((1,), (1,))))
    nprod = nrm * jnp.transpose(nrm)
    sim = dotm / jnp.maximum(nprod, 1e-8)

    jrow = jax.lax.broadcasted_iota(jnp.int32, (1, B), 1).astype(jnp.float32)
    colvalid = (avail_row > 0.0) & (jrow < Ae) & (jrow < float(BANK))
    L = jnp.sum(jnp.where(colvalid, 1.0, 0.0), keepdims=True)
    v = jnp.where(colvalid, sim, NEG)

    tvs, tis = [], []
    for _ in range(3):
        mval = jnp.max(v, axis=1, keepdims=True)
        midx = jnp.min(jnp.where(v == mval, jj, B), axis=1, keepdims=True)
        tvs.append(mval)
        tis.append(midx)
        v = jnp.where(jj == midx, NEG, v)

    e2 = jnp.exp(tvs[1] - tvs[0])
    e3 = jnp.exp(tvs[2] - tvs[0])
    den = 1.0 + e2 + e3
    w1 = 1.0 / den
    w2 = e2 / den
    w3 = e3 / den

    S = (jnp.where(jj == tis[0], w1, 0.0)
         + jnp.where(jj == tis[1], w2, 0.0)
         + jnp.where(jj == tis[2], w3, 0.0))
    knn = _dot(S, Fb, (((1,), (0,))))

    icol = jax.lax.broadcasted_iota(jnp.int32, (B, 1), 0).astype(jnp.float32)
    use = (icol < Ae) & (L > 0.0)
    missing_col = jnp.transpose(missing_row)
    knn = jnp.where(use, knn, 0.0)
    filled = jnp.where(missing_col, knn, proj)

    contrib = _dot(filled, w1_ref[...], (((1,), (0,))))

    @pl.when(m == 0)
    def _():
        acc_ref[...] = contrib

    @pl.when(m > 0)
    def _():
        acc_ref[...] = acc_ref[...] + contrib

    @pl.when(m == 2)
    def _():
        h = jnp.maximum(acc_ref[...] + b1_ref[...], 0.0)
        out_ref[...] = _dot(h, w2_ref[...], (((1,), (0,)))) + b2_ref[...]


def _tc_proj_prep(mi, Xs, Ws, bs):
    return pl.pallas_call(
        _proj_prep_kernel,
        grid=(3,),
        in_specs=[
            pl.BlockSpec((1, B), lambda m: (0, 0)),
            pl.BlockSpec((1, B, D), lambda m: (m, 0, 0)),
            pl.BlockSpec((1, D, FD), lambda m: (m, 0, 0)),
            pl.BlockSpec((1, 1, FD), lambda m: (m, 0, 0)),
        ],
        out_specs=[
            pl.BlockSpec((1, SUB, B, 128), lambda m: (m, 0, 0, 0)),
            pl.BlockSpec((1, 1, SUB * B), lambda m: (m, 0, 0)),
        ],
        out_shape=[
            jax.ShapeDtypeStruct((3, SUB, B, 128), jnp.float32),
            jax.ShapeDtypeStruct((3, 1, SUB * B), jnp.int32),
        ],
    )(mi, Xs, Ws, bs)


def _tc_main(mi, FbT, projT, W1, b1, W2, b2):
    return pl.pallas_call(
        _main_kernel,
        grid=(3,),
        in_specs=[
            pl.BlockSpec((1, B), lambda m: (0, 0)),
            pl.BlockSpec((1, SUB, B, 128), lambda m: (m, 0, 0, 0)),
            pl.BlockSpec((1, SUB, B, 128), lambda m: (m, 0, 0, 0)),
            pl.BlockSpec((FD, FD), lambda m: (m, 0)),
            pl.BlockSpec((1, FD), lambda m: (0, 0)),
            pl.BlockSpec((FD, 1), lambda m: (0, 0)),
            pl.BlockSpec((1, 1), lambda m: (0, 0)),
        ],
        out_specs=pl.BlockSpec((B, 1), lambda m: (0, 0)),
        out_shape=jax.ShapeDtypeStruct((B, 1), jnp.float32),
        scratch_shapes=[pltpu.VMEM((B, FD), jnp.float32)],
    )(mi, FbT, projT, W1, b1, W2, b2)


def kernel(language, video, audio, missing_index, W_language, b_language,
           W_video, b_video, W_audio, b_audio, W1, b1, W2, b2):
    Xs = jnp.stack([language, video, audio])
    Ws = jnp.stack([W_language, W_video, W_audio])
    bs = jnp.stack([b_language, b_video, b_audio])[:, None, :]
    mi = missing_index.astype(jnp.int32).reshape(1, B)

    projT, src6 = _tc_proj_prep(mi, Xs, Ws, bs)
    idx = src6.reshape(1, 3 * B * SUB)
    FbT = _sc_gather(projT.reshape(3 * B * SUB, 128), idx)
    return _tc_main(mi, FbT.reshape(3, SUB, B, 128), projT, W1,
                    b1.reshape(1, FD), W2, b2.reshape(1, 1))

# --- scband reference (transcript-rebuilt; emitter-appended) ---
"""Pipeline reference for scband-modal-knn-filling-75737453297943 (READ-ONLY COPY).

The authoritative reference and input builder live on the scoring server;
editing this copy changes nothing except your own understanding.
"""

import jax, jax.numpy as jnp
import numpy as np

MODALS = ['language', 'video', 'audio']
TYPE_INDEX = {'language': 1, 'video': 2, 'audio': 3}
KNN_K = 3
MAX_BANK = 1000


def setup_inputs(seed: int = 0):
    key = jax.random.key(seed)
    ks = jax.random.split(key, 12)
    B, D, FD = 1024, 768, 768
    inp = {}
    for i, m in enumerate(MODALS):
        inp[m] = jax.random.normal(ks[i], (B, D), dtype=jnp.float32)
    inp['missing_index'] = jax.random.randint(ks[3], (B,), 0, 4)
    s = 1.0 / np.sqrt(D)
    for i, m in enumerate(MODALS):
        inp['W_' + m] = jax.random.uniform(ks[4 + i], (D, FD), minval=-s, maxval=s, dtype=jnp.float32)
        inp['b_' + m] = jax.random.uniform(ks[7 + i], (FD,), minval=-s, maxval=s, dtype=jnp.float32)
    s1 = 1.0 / np.sqrt(3 * FD)
    inp['W1'] = jax.random.uniform(ks[10], (3 * FD, FD), minval=-s1, maxval=s1, dtype=jnp.float32)
    inp['b1'] = jnp.zeros((FD,), dtype=jnp.float32)
    s2 = 1.0 / np.sqrt(FD)
    inp['W2'] = jax.random.uniform(ks[11], (FD, 1), minval=-s2, maxval=s2, dtype=jnp.float32)
    inp['b2'] = jnp.zeros((1,), dtype=jnp.float32)
    return inp


def _forward(language, video, audio, W_language, b_language, W_video, b_video, W_audio, b_audio, W1, b1, W2, b2, missing_index):
    feats = {'language': language, 'video': video, 'audio': audio}
    Wb = {'language': (W_language, b_language), 'video': (W_video, b_video), 'audio': (W_audio, b_audio)}
    B = language.shape[0]
    BANK = min(B, MAX_BANK)
    K = min(KNN_K, BANK)
    proj = {}
    # Pass 1: project each modality and populate the feature bank with
    # detached features of samples whose modality is NOT missing (first call,
    # bank starts empty as in a fresh torch module).
    for m in MODALS:
        W, b = Wb[m]
        proj[m] = feats[m] @ W + b
    # Pass 2: KNN-fill missing entries.
    filled = {}
    for m in MODALS:
        f = proj[m]
        t = TYPE_INDEX[m]
        missing = missing_index == t
        avail = jnp.logical_not(missing)
        A = jnp.sum(avail)
        off = jnp.maximum(A - MAX_BANK, 0)
        Ae = jnp.minimum(A, MAX_BANK)
        order = jnp.argsort(missing, stable=True)
        p = jnp.arange(BANK)
        pos = jnp.clip(p + off, 0, B - 1)
        src = order[pos]
        row_valid = p < Ae
        Fb = jnp.where(row_valid[:, None], jax.lax.stop_gradient(f)[src], 0.0)
        norms = jnp.linalg.norm(Fb, axis=1)
        sim = (Fb @ Fb.T) / jnp.maximum(norms[:, None] * norms[None, :], 1e-8)
        col_valid = avail[:BANK] & (jnp.arange(BANK) < Ae)
        L = jnp.sum(col_valid)
        ridx = jnp.clip(jnp.arange(B), 0, BANK - 1)
        rows = sim[ridx]
        masked = jnp.where(col_valid[None, :], rows, -jnp.inf)
        masked = jnp.where(L > 0, masked, 0.0)
        tv, ti = jax.lax.top_k(masked, K)
        topf = Fb[ti]
        w = jax.nn.softmax(tv, axis=1)
        knn = jnp.sum(topf * w[:, :, None], axis=1)
        use = missing & (jnp.arange(B) < Ae) & (L > 0)
        knn = jnp.where(use[:, None], knn, 0.0)
        filled[m] = jnp.where(missing[:, None], knn, f)
    inputs = jnp.concatenate([filled[m] for m in MODALS], axis=-1)
    h = jax.nn.relu(inputs @ W1 + b1)
    # dropout in eval mode == identity
    out = h @ W2 + b2
    return out


def reference(language, video, audio, missing_index, W_language, b_language, W_video, b_video, W_audio, b_audio, W1, b1, W2, b2):
    return _forward(language, video, audio, W_language, b_language, W_video, b_video, W_audio, b_audio, W1, b1, W2, b2, missing_index)

if __name__ == "__main__":
    import jax
    _d = setup_inputs()
    print(jax.jit(kernel)(*tuple(_d.values())))

</pallas_src>

<mosaic_0001>
#map = affine_map<(d0, d1) -> (0, 0)>
module attributes {stable_mosaic.version = 14 : i64} {
  func.func @k(%arg0: i32, %arg1: i32, %arg2: memref<18432x128xf32, #tpu.memory_space<hbm>>, %arg3: memref<1x18432xi32, #tpu.memory_space<hbm>>, %arg4: memref<18432x128xf32, #tpu.memory_space<hbm>>) attributes {dimension_semantics = [#tpu.dimension_semantics<core_parallel>, #tpu.dimension_semantics<subcore_parallel>], iteration_bounds = array<i64: 2, 16>, scalar_prefetch = 0 : i64, scratch_operands = 0 : i64, tpu.core_type = #tpu.core_type<sc_vector_subcore>, window_params = [{transform_indices = #map}, {transform_indices = #map}, {transform_indices = #map}]} {
    %mul3A = arith.constant 1 : i32
    %mul3A_0 = arith.muli %arg1, %mul3A : i32
    %add3A = arith.constant 0 : i32
    %add3A_1 = arith.addi %add3A, %mul3A_0 : i32
    %mul3A_2 = arith.constant 16 : i32
    %mul3A_3 = arith.muli %arg0, %mul3A_2 : i32
    %add3A_4 = arith.addi %add3A_1, %mul3A_3 : i32
    %lt3A = arith.constant 8 : i32
    %lt3A_5 = arith.cmpi slt, %add3A_4, %lt3A : i32
    %jit3A = arith.constant 3 : i32
    %jit3A_6 = arith.constant 2 : i32
    %select_n3A = arith.select %lt3A_5, %jit3A, %jit3A_6 : i32
    %lt3A_7 = arith.constant 8 : i32
    %lt3A_8 = arith.cmpi slt, %add3A_4, %lt3A_7 : i32
    %mul3A_9 = arith.muli %add3A_4, %select_n3A : i32
    %mul3A_10 = arith.constant 2 : i32
    %mul3A_11 = arith.muli %add3A_4, %mul3A_10 : i32
    %add3A_12 = arith.constant 8 : i32
    %add3A_13 = arith.addi %mul3A_11, %add3A_12 : i32
    %select_n3A_14 = arith.select %lt3A_8, %mul3A_9, %add3A_13 : i32
    %mul3A_15 = arith.constant 1 : i32
    %mul3A_16 = arith.muli %mul3A_15, %select_n3A : i32
    "tpu.region"() ({
      %run_scoped3A = memref.alloca() : memref<2x1x256xi32, #tpu.memory_space<vmem>>
      %run_scoped3A_17 = tpu.sem_alloc : memref<2x!tpu.dma_semaphore, #tpu.memory_space<semaphore_mem>>
      %run_scoped3A_18 = memref.alloca() : memref<2x256x128xf32, #tpu.memory_space<vmem>>
      %run_scoped3A_19 = tpu.sem_alloc : memref<2x!tpu.dma_semaphore, #tpu.memory_space<semaphore_mem>>
      %gt3A = arith.constant 0 : i32
      %gt3A_20 = arith.cmpi sgt, %mul3A_16, %gt3A : i32
      %convert_element_type3A = arith.extui %gt3A_20 : i1 to i32
      %cond3A = arith.constant 0 : i32
      %cond3A_21 = arith.cmpi ne, %convert_element_type3A, %cond3A : i32
      scf.if %cond3A_21 {
        %mul3A_22 = arith.constant 1 : i32
        %mul3A_23 = arith.muli %mul3A_22, %select_n3A : i32
        %sub3A = arith.constant 1 : i32
        %sub3A_24 = arith.subi %mul3A_23, %sub3A : i32
        %eq3A = arith.constant 0 : i32
        %eq3A_25 = arith.cmpi eq, %sub3A_24, %eq3A : i32
        %add3A_26 = arith.constant 0 : i32
        %add3A_27 = arith.addi %add3A_26, %select_n3A_14 : i32
        %select_n3A_28 = arith.constant true
        %select_n3A_29 = arith.constant 0 : i32
        %select_n3A_30 = arith.constant -1 : i32
        %select_n3A_31 = arith.select %select_n3A_28, %select_n3A_30, %select_n3A_29 : i32
        %eq3A_32 = arith.constant -1 : i32
        %eq3A_33 = arith.cmpi eq, %select_n3A_31, %eq3A_32 : i32
        %sub3A_34 = arith.constant 1 : i32
        %sub3A_35 = arith.subi %select_n3A, %sub3A_34 : i32
        %select_n3A_36 = arith.select %eq3A_33, %sub3A_35, %select_n3A_31 : i32
        %add3A_37 = arith.addi %select_n3A_36, %select_n3A_14 : i32
        %select_n3A_38 = arith.constant true
        %select_n3A_39 = arith.constant 0 : i32
        %select_n3A_40 = arith.constant 1 : i32
        %select_n3A_41 = arith.select %select_n3A_38, %select_n3A_40, %select_n3A_39 : i32
        %eq3A_42 = arith.cmpi eq, %select_n3A_41, %select_n3A : i32
        %select_n3A_43 = arith.constant 0 : i32
        %select_n3A_44 = arith.select %eq3A_42, %select_n3A_43, %select_n3A_41 : i32
        %add3A_45 = arith.addi %select_n3A_44, %select_n3A_14 : i32
        %add3A_46 = arith.constant 1 : i32
        %add3A_47 = arith.addi %select_n3A_44, %add3A_46 : i32
        %select_n3A_48 = arith.constant true
        %select_n3A_49 = arith.select %select_n3A_48, %add3A_47, %select_n3A_44 : i32
        %eq3A_50 = arith.cmpi eq, %select_n3A_49, %select_n3A : i32
        %select_n3A_51 = arith.constant 0 : i32
        %select_n3A_52 = arith.select %eq3A_50, %select_n3A_51, %select_n3A_49 : i32
        %add3A_53 = arith.addi %select_n3A_52, %select_n3A_14 : i32
        "tpu.trace_start"() <{level = 10 : i32, message = "ep_initialize_0"}> : () -> ()
        %rem3A = arith.constant 0 : i32
        %rem3A_54 = arith.constant 2 : i32
        %rem3A_55 = arith.remui %rem3A, %rem3A_54 : i32
        %mul3A_56 = arith.constant 256 : i32
        %mul3A_57 = arith.muli %mul3A_56, %add3A_27 : i32
        %dma_start3A = arith.constant 0 : i32
        %dma_start3A_58 = arith.constant 0 : i32
        %dma_start3A_59 = tpu.memref_slice %run_scoped3A[%rem3A_55, %dma_start3A, %dma_start3A_58] : memref<2x1x256xi32, #tpu.memory_space<vmem>> -> memref<1x1x256xi32, #tpu.memory_space<vmem>>
        %dma_start3A_60 = tpu.memref_squeeze %dma_start3A_59 : memref<1x1x256xi32, #tpu.memory_space<vmem>> -> memref<1x256xi32, #tpu.memory_space<vmem>>
        %dma_start3A_61 = arith.constant 0 : i32
        %dma_start3A_62 = tpu.memref_slice %arg3[%dma_start3A_61, %mul3A_57] : memref<1x18432xi32, #tpu.memory_space<hbm>> -> memref<1x256xi32, #tpu.memory_space<hbm>>
        %dma_start3A_63 = tpu.memref_slice %run_scoped3A_17[%rem3A_55] : memref<2x!tpu.dma_semaphore, #tpu.memory_space<semaphore_mem>> -> memref<1x!tpu.dma_semaphore, #tpu.memory_space<semaphore_mem>>
        %dma_start3A_64 = tpu.memref_squeeze %dma_start3A_63 : memref<1x!tpu.dma_semaphore, #tpu.memory_space<semaphore_mem>> -> memref<!tpu.dma_semaphore, #tpu.memory_space<semaphore_mem>>
        %dma_start3A_65 = arith.constant 0 : i32
        %dma_start3A_66 = arith.constant 0 : i32
        %dma_start3A_67 = tpu.memref_slice %run_scoped3A[%rem3A_55, %dma_start3A_65, %dma_start3A_66] : memref<2x1x256xi32, #tpu.memory_space<vmem>> -> memref<1x1x256xi32, #tpu.memory_space<vmem>>
        %dma_start3A_68 = tpu.memref_squeeze %dma_start3A_67 : memref<1x1x256xi32, #tpu.memory_space<vmem>> -> memref<1x256xi32, #tpu.memory_space<vmem>>
        %dma_start3A_69 = arith.constant 0 : i32
        %dma_start3A_70 = tpu.memref_slice %arg3[%dma_start3A_69, %mul3A_57] : memref<1x18432xi32, #tpu.memory_space<hbm>> -> memref<1x256xi32, #tpu.memory_space<hbm>>
        tpu.enqueue_dma source(%dma_start3A_70 : memref<1x256xi32, #tpu.memory_space<hbm>>) target(%dma_start3A_68 : memref<1x256xi32, #tpu.memory_space<vmem>>) target_semaphore(%dma_start3A_64 : memref<!tpu.dma_semaphore, #tpu.memory_space<semaphore_mem>>)
        %add3A_71 = arith.constant 0 : i32
        %add3A_72 = arith.constant 1 : i32
        %add3A_73 = arith.addi %add3A_71, %add3A_72 : i32
        %select_n3A_74 = arith.constant true
        %select_n3A_75 = arith.constant 0 : i32
        %select_n3A_76 = arith.select %select_n3A_74, %add3A_73, %select_n3A_75 : i32
        %while3A = arith.constant 0 : i32
        %while3A_77 = arith.constant 0 : i32
        %while3A_78 = arith.constant 0 : i32
        %while3A_79 = arith.constant 0 : i32
        %while3A_80 = arith.constant 0 : i32
        "tpu.trace_stop"() : () -> ()
        %while3A_81 = arith.subi %mul3A_16, %while3A : i32
        %while3A_82 = arith.addi %while3A, %while3A_81 : i32
        %while3A_83 = arith.constant 1 : i32
        %while3A_84 = arith.divsi %while3A_81, %while3A_83 : i32
        %while3A_85 = arith.muli %while3A_84, %while3A_83 : i32
        %while3A_86 = arith.addi %while3A, %while3A_85 : i32
        %while3A_87 = arith.constant 1 : i32
        %while3A_88:5 = scf.for %while3A_142 = %while3A to %while3A_86 step %while3A_87 iter_args(%while3A_143 = %select_n3A_76, %while3A_144 = %while3A_77, %while3A_145 = %while3A_78, %while3A_146 = %while3A_79, %while3A_147 = %while3A_80) -> (i32, i32, i32, i32, i32)  : i32 {
          %mul3A_148 = arith.constant 1 : i32
          %mul3A_149 = arith.muli %mul3A_148, %select_n3A : i32
          %eq3A_150 = arith.constant 0 : i32
          %eq3A_151 = arith.cmpi eq, %while3A_142, %eq3A_150 : i32
          %sub3A_152 = arith.constant 1 : i32
          %sub3A_153 = arith.subi %mul3A_149, %sub3A_152 : i32
          %eq3A_154 = arith.cmpi eq, %while3A_142, %sub3A_153 : i32
          %add3A_155 = arith.addi %while3A_147, %select_n3A_14 : i32
          %sub3A_156 = arith.constant 1 : i32
          %sub3A_157 = arith.subi %while3A_147, %sub3A_156 : i32
          %select_n3A_158 = arith.constant true
          %select_n3A_159 = arith.select %select_n3A_158, %sub3A_157, %while3A_147 : i32
          %eq3A_160 = arith.constant -1 : i32
          %eq3A_161 = arith.cmpi eq, %select_n3A_159, %eq3A_160 : i32
          %sub3A_162 = arith.constant 1 : i32
          %sub3A_163 = arith.subi %select_n3A, %sub3A_162 : i32
          %select_n3A_164 = arith.select %eq3A_161, %sub3A_163, %select_n3A_159 : i32
          %add3A_165 = arith.addi %select_n3A_164, %select_n3A_14 : i32
          %add3A_166 = arith.constant 1 : i32
          %add3A_167 = arith.addi %while3A_147, %add3A_166 : i32
          %select_n3A_168 = arith.constant true
          %select_n3A_169 = arith.select %select_n3A_168, %add3A_167, %while3A_147 : i32
          %eq3A_170 = arith.cmpi eq, %select_n3A_169, %select_n3A : i32
          %select_n3A_171 = arith.constant 0 : i32
          %select_n3A_172 = arith.select %eq3A_170, %select_n3A_171, %select_n3A_169 : i32
          %add3A_173 = arith.addi %select_n3A_172, %select_n3A_14 : i32
          %add3A_174 = arith.constant 1 : i32
          %add3A_175 = arith.addi %select_n3A_172, %add3A_174 : i32
          %select_n3A_176 = arith.constant true
          %select_n3A_177 = arith.select %select_n3A_176, %add3A_175, %select_n3A_172 : i32
          %eq3A_178 = arith.cmpi eq, %select_n3A_177, %select_n3A : i32
          %select_n3A_179 = arith.constant 0 : i32
          %select_n3A_180 = arith.select %eq3A_178, %select_n3A_179, %select_n3A_177 : i32
          %add3A_181 = arith.addi %select_n3A_180, %select_n3A_14 : i32
          %ne3A = arith.cmpi ne, %add3A_155, %add3A_173 : i32
          %or3A = arith.constant false
          %or3A_182 = arith.ori %or3A, %ne3A : i1
          %sub3A_183 = arith.constant 2 : i32
          %sub3A_184 = arith.subi %mul3A_149, %sub3A_183 : i32
          %add3A_185 = arith.constant 1 : i32
          %add3A_186 = arith.addi %sub3A_184, %add3A_185 : i32
          %ge3A = arith.cmpi sge, %while3A_142, %add3A_186 : i32
          %not3A = arith.constant true
          %not3A_187 = arith.xori %ge3A, %not3A : i1
          %and3A = arith.andi %or3A_182, %not3A_187 : i1
          %convert_element_type3A_188 = arith.extui %and3A : i1 to i32
          %cond3A_189 = arith.constant 0 : i32
          %cond3A_190 = arith.cmpi ne, %convert_element_type3A_188, %cond3A_189 : i32
          scf.if %cond3A_190 {
            "tpu.trace_start"() <{level = 10 : i32, message = "ep_copy_in"}> : () -> ()
            %rem3A_294 = arith.constant 2 : i32
            %rem3A_295 = arith.remui %while3A_143, %rem3A_294 : i32
            %mul3A_296 = arith.constant 256 : i32
            %mul3A_297 = arith.muli %mul3A_296, %add3A_173 : i32
            %dma_start3A_298 = arith.constant 0 : i32
            %dma_start3A_299 = arith.constant 0 : i32
            %dma_start3A_300 = tpu.memref_slice %run_scoped3A[%rem3A_295, %dma_start3A_298, %dma_start3A_299] : memref<2x1x256xi32, #tpu.memory_space<vmem>> -> memref<1x1x256xi32, #tpu.memory_space<vmem>>
            %dma_start3A_301 = tpu.memref_squeeze %dma_start3A_300 : memref<1x1x256xi32, #tpu.memory_space<vmem>> -> memref<1x256xi32, #tpu.memory_space<vmem>>
            %dma_start3A_302 = arith.constant 0 : i32
            %dma_start3A_303 = tpu.memref_slice %arg3[%dma_start3A_302, %mul3A_297] : memref<1x18432xi32, #tpu.memory_space<hbm>> -> memref<1x256xi32, #tpu.memory_space<hbm>>
            %dma_start3A_304 = tpu.memref_slice %run_scoped3A_17[%rem3A_295] : memref<2x!tpu.dma_semaphore, #tpu.memory_space<semaphore_mem>> -> memref<1x!tpu.dma_semaphore, #tpu.memory_space<semaphore_mem>>
            %dma_start3A_305 = tpu.memref_squeeze %dma_start3A_304 : memref<1x!tpu.dma_semaphore, #tpu.memory_space<semaphore_mem>> -> memref<!tpu.dma_semaphore, #tpu.memory_space<semaphore_mem>>
            %dma_start3A_306 = arith.constant 0 : i32
            %dma_start3A_307 = arith.constant 0 : i32
            %dma_start3A_308 = tpu.memref_slice %run_scoped3A[%rem3A_295, %dma_start3A_306, %dma_start3A_307] : memref<2x1x256xi32, #tpu.memory_space<vmem>> -> memref<1x1x256xi32, #tpu.memory_space<vmem>>
            %dma_start3A_309 = tpu.memref_squeeze %dma_start3A_308 : memref<1x1x256xi32, #tpu.memory_space<vmem>> -> memref<1x256xi32, #tpu.memory_space<vmem>>
            %dma_start3A_310 = arith.constant 0 : i32
            %dma_start3A_311 = tpu.memref_slice %arg3[%dma_start3A_310, %mul3A_297] : memref<1x18432xi32, #tpu.memory_space<hbm>> -> memref<1x256xi32, #tpu.memory_space<hbm>>
            tpu.enqueue_dma source(%dma_start3A_311 : memref<1x256xi32, #tpu.memory_space<hbm>>) target(%dma_start3A_309 : memref<1x256xi32, #tpu.memory_space<vmem>>) target_semaphore(%dma_start3A_305 : memref<!tpu.dma_semaphore, #tpu.memory_space<semaphore_mem>>)
            "tpu.trace_stop"() : () -> ()
          } else {
          }
          %and3A_191 = arith.constant true
          %and3A_192 = arith.andi %and3A, %and3A_191 : i1
          %add3A_193 = arith.constant 1 : i32
          %add3A_194 = arith.addi %while3A_143, %add3A_193 : i32
          %select_n3A_195 = arith.select %and3A_192, %add3A_194, %while3A_143 : i32
          %ne3A_196 = arith.cmpi ne, %add3A_155, %add3A_173 : i32
          %or3A_197 = arith.constant false
          %or3A_198 = arith.ori %or3A_197, %ne3A_196 : i1
          %or3A_199 = arith.constant false
          %or3A_200 = arith.ori %or3A_198, %or3A_199 : i1
          %sub3A_201 = arith.constant 2 : i32
          %sub3A_202 = arith.subi %mul3A_149, %sub3A_201 : i32
          %add3A_203 = arith.constant 1 : i32
          %add3A_204 = arith.addi %sub3A_202, %add3A_203 : i32
          %ge3A_205 = arith.cmpi sge, %while3A_142, %add3A_204 : i32
          %not3A_206 = arith.constant true
          %not3A_207 = arith.xori %ge3A_205, %not3A_206 : i1
          %and3A_208 = arith.andi %or3A_200, %not3A_207 : i1
          %ne3A_209 = arith.cmpi ne, %add3A_155, %add3A_165 : i32
          %or3A_210 = arith.constant false
          %or3A_211 = arith.ori %or3A_210, %ne3A_209 : i1
          %or3A_212 = arith.ori %or3A_211, %eq3A_151 : i1
          %convert_element_type3A_213 = arith.extui %or3A_212 : i1 to i32
          %cond3A_214 = arith.constant 0 : i32
          %cond3A_215 = arith.cmpi ne, %convert_element_type3A_213, %cond3A_214 : i32
          scf.if %cond3A_215 {
            "tpu.trace_start"() <{level = 10 : i32, message = "ep_wait_in"}> : () -> ()
            %mul3A_294 = arith.constant 256 : i32
            %mul3A_295 = arith.muli %mul3A_294, %add3A_155 : i32
            %rem3A_296 = arith.constant 2 : i32
            %rem3A_297 = arith.remui %while3A_144, %rem3A_296 : i32
            %dma_wait3A = arith.constant 0 : i32
            %dma_wait3A_298 = arith.constant 0 : i32
            %dma_wait3A_299 = tpu.memref_slice %run_scoped3A[%rem3A_297, %dma_wait3A, %dma_wait3A_298] : memref<2x1x256xi32, #tpu.memory_space<vmem>> -> memref<1x1x256xi32, #tpu.memory_space<vmem>>
            %dma_wait3A_300 = tpu.memref_squeeze %dma_wait3A_299 : memref<1x1x256xi32, #tpu.memory_space<vmem>> -> memref<1x256xi32, #tpu.memory_space<vmem>>
            %dma_wait3A_301 = arith.constant 0 : i32
            %dma_wait3A_302 = tpu.memref_slice %arg3[%dma_wait3A_301, %mul3A_295] : memref<1x18432xi32, #tpu.memory_space<hbm>> -> memref<1x256xi32, #tpu.memory_space<hbm>>
            %dma_wait3A_303 = tpu.memref_slice %run_scoped3A_17[%rem3A_297] : memref<2x!tpu.dma_semaphore, #tpu.memory_space<semaphore_mem>> -> memref<1x!tpu.dma_semaphore, #tpu.memory_space<semaphore_mem>>
            %dma_wait3A_304 = tpu.memref_squeeze %dma_wait3A_303 : memref<1x!tpu.dma_semaphore, #tpu.memory_space<semaphore_mem>> -> memref<!tpu.dma_semaphore, #tpu.memory_space<semaphore_mem>>
            %dma_wait3A_305 = arith.constant 0 : i32
            %dma_wait3A_306 = arith.constant 0 : i32
            %dma_wait3A_307 = tpu.memref_slice %run_scoped3A[%rem3A_297, %dma_wait3A_305, %dma_wait3A_306] : memref<2x1x256xi32, #tpu.memory_space<vmem>> -> memref<1x1x256xi32, #tpu.memory_space<vmem>>
            %dma_wait3A_308 = tpu.memref_squeeze %dma_wait3A_307 : memref<1x1x256xi32, #tpu.memory_space<vmem>> -> memref<1x256xi32, #tpu.memory_space<vmem>>
            %dma_wait3A_309 = arith.constant 0 : i32
            %dma_wait3A_310 = tpu.memref_slice %arg3[%dma_wait3A_309, %mul3A_295] : memref<1x18432xi32, #tpu.memory_space<hbm>> -> memref<1x256xi32, #tpu.memory_space<hbm>>
            tpu.wait_dma2 semaphore(%dma_wait3A_304 : memref<!tpu.dma_semaphore, #tpu.memory_space<semaphore_mem>>) src(%dma_wait3A_310 : memref<1x256xi32, #tpu.memory_space<hbm>>) dst(%dma_wait3A_308 : memref<1x256xi32, #tpu.memory_space<vmem>>)
            "tpu.trace_stop"() : () -> ()
          } else {
          }
          %ne3A_216 = arith.cmpi ne, %add3A_155, %add3A_165 : i32
          %or3A_217 = arith.constant false
          %or3A_218 = arith.ori %or3A_217, %ne3A_216 : i1
          %or3A_219 = arith.constant false
          %or3A_220 = arith.ori %or3A_218, %or3A_219 : i1
          %or3A_221 = arith.ori %or3A_220, %eq3A_151 : i1
          %convert_element_type3A_222 = arith.extui %or3A_221 : i1 to i32
          %cond3A_223 = arith.constant 0 : i32
          %cond3A_224 = arith.cmpi ne, %convert_element_type3A_222, %cond3A_223 : i32
          scf.if %cond3A_224 {
          } else {
          }
          %rem3A_225 = arith.constant 2 : i32
          %rem3A_226 = arith.remui %while3A_144, %rem3A_225 : i32
          %rem3A_227 = arith.constant 2 : i32
          %rem3A_228 = arith.remui %while3A_145, %rem3A_227 : i32
          %run_scoped3A_229 = arith.constant 0 : i32
          "tpu.trace_start"() <{level = 10 : i32, message = "ep_run_kernel"}> : () -> ()
          "tpu.region"() ({
            %run_scoped3A_294 = tpu.sem_alloc : memref<!tpu.dma_semaphore, #tpu.memory_space<semaphore_mem>>
            %dma_start3A_295 = arith.constant 0 : i32
            %dma_start3A_296 = arith.constant 0 : i32
            %dma_start3A_297 = tpu.memref_slice %run_scoped3A_18[%rem3A_228, %dma_start3A_295, %dma_start3A_296] : memref<2x256x128xf32, #tpu.memory_space<vmem>> -> memref<1x256x128xf32, #tpu.memory_space<vmem>>
            %dma_start3A_298 = tpu.memref_squeeze %dma_start3A_297 : memref<1x256x128xf32, #tpu.memory_space<vmem>> -> memref<256x128xf32, #tpu.memory_space<vmem>>
            %dma_start3A_299 = arith.constant 0 : i32
            %dma_start3A_300 = arith.constant 0 : i32
            %dma_start3A_301 = tpu.memref_slice %run_scoped3A[%rem3A_226, %dma_start3A_299, %dma_start3A_300] : memref<2x1x256xi32, #tpu.memory_space<vmem>> -> memref<1x1x256xi32, #tpu.memory_space<vmem>>
            %dma_start3A_302 = tpu.memref_squeeze %dma_start3A_301 : memref<1x1x256xi32, #tpu.memory_space<vmem>> -> memref<1x256xi32, #tpu.memory_space<vmem>>
            %dma_start3A_303 = arith.constant 0 : i32
            %dma_start3A_304 = tpu.memref_slice %dma_start3A_302[%run_scoped3A_229, %dma_start3A_303] : memref<1x256xi32, #tpu.memory_space<vmem>> -> memref<1x256xi32, #tpu.memory_space<vmem>>
            %dma_start3A_305 = tpu.memref_squeeze %dma_start3A_304 : memref<1x256xi32, #tpu.memory_space<vmem>> -> memref<256xi32, #tpu.memory_space<vmem>>
            %dma_start3A_306 = arith.constant 0 : i32
            %dma_start3A_307 = arith.constant 0 : i32
            %dma_start3A_308 = tpu.memref_slice %arg2[%dma_start3A_306, %dma_start3A_307] : memref<18432x128xf32, #tpu.memory_space<hbm>> -> memref<18432x128xf32, #tpu.memory_space<hbm>>
            tpu.enqueue_indirect_dma source(%dma_start3A_308 : memref<18432x128xf32, #tpu.memory_space<hbm>>) target(%dma_start3A_298 : memref<256x128xf32, #tpu.memory_space<vmem>>) offsets(%dma_start3A_305 : memref<256xi32, #tpu.memory_space<vmem>>) semaphore(%run_scoped3A_294 : memref<!tpu.dma_semaphore, #tpu.memory_space<semaphore_mem>>)
            %dma_wait3A = arith.constant 0 : i32
            %dma_wait3A_309 = arith.constant 0 : i32
            %dma_wait3A_310 = tpu.memref_slice %run_scoped3A_18[%rem3A_228, %dma_wait3A, %dma_wait3A_309] : memref<2x256x128xf32, #tpu.memory_space<vmem>> -> memref<1x256x128xf32, #tpu.memory_space<vmem>>
            %dma_wait3A_311 = tpu.memref_squeeze %dma_wait3A_310 : memref<1x256x128xf32, #tpu.memory_space<vmem>> -> memref<256x128xf32, #tpu.memory_space<vmem>>
            %dma_wait3A_312 = arith.constant 0 : i32
            %dma_wait3A_313 = arith.constant 0 : i32
            %dma_wait3A_314 = tpu.memref_slice %run_scoped3A[%rem3A_226, %dma_wait3A_312, %dma_wait3A_313] : memref<2x1x256xi32, #tpu.memory_space<vmem>> -> memref<1x1x256xi32, #tpu.memory_space<vmem>>
            %dma_wait3A_315 = tpu.memref_squeeze %dma_wait3A_314 : memref<1x1x256xi32, #tpu.memory_space<vmem>> -> memref<1x256xi32, #tpu.memory_space<vmem>>
            %dma_wait3A_316 = arith.constant 0 : i32
            %dma_wait3A_317 = tpu.memref_slice %dma_wait3A_315[%run_scoped3A_229, %dma_wait3A_316] : memref<1x256xi32, #tpu.memory_space<vmem>> -> memref<1x256xi32, #tpu.memory_space<vmem>>
            %dma_wait3A_318 = tpu.memref_squeeze %dma_wait3A_317 : memref<1x256xi32, #tpu.memory_space<vmem>> -> memref<256xi32, #tpu.memory_space<vmem>>
            %dma_wait3A_319 = arith.constant 0 : i32
            %dma_wait3A_320 = arith.constant 0 : i32
            %dma_wait3A_321 = tpu.memref_slice %arg2[%dma_wait3A_319, %dma_wait3A_320] : memref<18432x128xf32, #tpu.memory_space<hbm>> -> memref<18432x128xf32, #tpu.memory_space<hbm>>
            tpu.wait_indirect_dma semaphore(%run_scoped3A_294 : memref<!tpu.dma_semaphore, #tpu.memory_space<semaphore_mem>>) src(%dma_wait3A_321 : memref<18432x128xf32, #tpu.memory_space<hbm>>) dst(%dma_wait3A_311 : memref<256x128xf32, #tpu.memory_space<vmem>>)
            tpu.yield
          }) : () -> ()
          "tpu.trace_stop"() : () -> ()
          %ne3A_230 = arith.cmpi ne, %add3A_155, %add3A_173 : i32
          %or3A_231 = arith.constant false
          %or3A_232 = arith.ori %or3A_231, %ne3A_230 : i1
          %or3A_233 = arith.ori %or3A_232, %eq3A_154 : i1
          %convert_element_type3A_234 = arith.extui %or3A_233 : i1 to i32
          %cond3A_235 = arith.constant 0 : i32
          %cond3A_236 = arith.cmpi ne, %convert_element_type3A_234, %cond3A_235 : i32
          scf.if %cond3A_236 {
          } else {
          }
          %and3A_237 = arith.constant false
          %and3A_238 = arith.andi %or3A_233, %and3A_237 : i1
          %ne3A_239 = arith.cmpi ne, %add3A_155, %add3A_173 : i32
          %or3A_240 = arith.constant false
          %or3A_241 = arith.ori %or3A_240, %ne3A_239 : i1
          %or3A_242 = arith.constant false
          %or3A_243 = arith.ori %or3A_241, %or3A_242 : i1
          %or3A_244 = arith.ori %or3A_243, %eq3A_154 : i1
          %convert_element_type3A_245 = arith.extui %or3A_244 : i1 to i32
          %cond3A_246 = arith.constant 0 : i32
          %cond3A_247 = arith.cmpi ne, %convert_element_type3A_245, %cond3A_246 : i32
          scf.if %cond3A_247 {
            "tpu.trace_start"() <{level = 10 : i32, message = "ep_copy_out"}> : () -> ()
            %rem3A_294 = arith.constant 2 : i32
            %rem3A_295 = arith.remui %while3A_145, %rem3A_294 : i32
            %mul3A_296 = arith.constant 256 : i32
            %mul3A_297 = arith.muli %mul3A_296, %add3A_155 : i32
            %dma_start3A_298 = arith.constant 0 : i32
            %dma_start3A_299 = arith.constant 0 : i32
            %dma_start3A_300 = tpu.memref_slice %run_scoped3A_18[%rem3A_295, %dma_start3A_298, %dma_start3A_299] : memref<2x256x128xf32, #tpu.memory_space<vmem>> -> memref<1x256x128xf32, #tpu.memory_space<vmem>>
            %dma_start3A_301 = tpu.memref_squeeze %dma_start3A_300 : memref<1x256x128xf32, #tpu.memory_space<vmem>> -> memref<256x128xf32, #tpu.memory_space<vmem>>
            %dma_start3A_302 = arith.constant 0 : i32
            %dma_start3A_303 = tpu.memref_slice %arg4[%mul3A_297, %dma_start3A_302] : memref<18432x128xf32, #tpu.memory_space<hbm>> -> memref<256x128xf32, #tpu.memory_space<hbm>>
            %dma_start3A_304 = tpu.memref_slice %run_scoped3A_19[%rem3A_295] : memref<2x!tpu.dma_semaphore, #tpu.memory_space<semaphore_mem>> -> memref<1x!tpu.dma_semaphore, #tpu.memory_space<semaphore_mem>>
            %dma_start3A_305 = tpu.memref_squeeze %dma_start3A_304 : memref<1x!tpu.dma_semaphore, #tpu.memory_space<semaphore_mem>> -> memref<!tpu.dma_semaphore, #tpu.memory_space<semaphore_mem>>
            %dma_start3A_306 = arith.constant 0 : i32
            %dma_start3A_307 = tpu.memref_slice %arg4[%mul3A_297, %dma_start3A_306] : memref<18432x128xf32, #tpu.memory_space<hbm>> -> memref<256x128xf32, #tpu.memory_space<hbm>>
            %dma_start3A_308 = arith.constant 0 : i32
            %dma_start3A_309 = arith.constant 0 : i32
            %dma_start3A_310 = tpu.memref_slice %run_scoped3A_18[%rem3A_295, %dma_start3A_308, %dma_start3A_309] : memref<2x256x128xf32, #tpu.memory_space<vmem>> -> memref<1x256x128xf32, #tpu.memory_space<vmem>>
            %dma_start3A_311 = tpu.memref_squeeze %dma_start3A_310 : memref<1x256x128xf32, #tpu.memory_space<vmem>> -> memref<256x128xf32, #tpu.memory_space<vmem>>
            tpu.enqueue_dma source(%dma_start3A_311 : memref<256x128xf32, #tpu.memory_space<vmem>>) target(%dma_start3A_307 : memref<256x128xf32, #tpu.memory_space<hbm>>) target_semaphore(%dma_start3A_305 : memref<!tpu.dma_semaphore, #tpu.memory_space<semaphore_mem>>)
            "tpu.trace_stop"() : () -> ()
          } else {
          }
          %and3A_248 = arith.constant true
          %and3A_249 = arith.andi %or3A_244, %and3A_248 : i1
          %add3A_250 = arith.constant 1 : i32
          %add3A_251 = arith.addi %while3A_145, %add3A_250 : i32
          %select_n3A_252 = arith.select %and3A_249, %add3A_251, %while3A_145 : i32
          %ne3A_253 = arith.cmpi ne, %add3A_155, %add3A_165 : i32
          %or3A_254 = arith.constant false
          %or3A_255 = arith.ori %or3A_254, %ne3A_253 : i1
          %not3A_256 = arith.constant true
          %not3A_257 = arith.xori %eq3A_151, %not3A_256 : i1
          %and3A_258 = arith.andi %or3A_255, %not3A_257 : i1
          %convert_element_type3A_259 = arith.extui %and3A_258 : i1 to i32
          %cond3A_260 = arith.constant 0 : i32
          %cond3A_261 = arith.cmpi ne, %convert_element_type3A_259, %cond3A_260 : i32
          scf.if %cond3A_261 {
          } else {
          }
          %and3A_262 = arith.constant false
          %and3A_263 = arith.andi %and3A_258, %and3A_262 : i1
          %ne3A_264 = arith.cmpi ne, %add3A_155, %add3A_165 : i32
          %or3A_265 = arith.constant false
          %or3A_266 = arith.ori %or3A_265, %ne3A_264 : i1
          %or3A_267 = arith.constant false
          %or3A_268 = arith.ori %or3A_266, %or3A_267 : i1
          %not3A_269 = arith.constant true
          %not3A_270 = arith.xori %eq3A_151, %not3A_269 : i1
          %and3A_271 = arith.andi %or3A_268, %not3A_270 : i1
          %convert_element_type3A_272 = arith.extui %and3A_271 : i1 to i32
          %cond3A_273 = arith.constant 0 : i32
          %cond3A_274 = arith.cmpi ne, %convert_element_type3A_272, %cond3A_273 : i32
          scf.if %cond3A_274 {
            "tpu.trace_start"() <{level = 10 : i32, message = "ep_wait_out"}> : () -> ()
            %rem3A_294 = arith.constant 2 : i32
            %rem3A_295 = arith.remui %while3A_146, %rem3A_294 : i32
            %mul3A_296 = arith.constant 256 : i32
            %mul3A_297 = arith.muli %mul3A_296, %add3A_165 : i32
            %dma_wait3A = arith.constant 0 : i32
            %dma_wait3A_298 = arith.constant 0 : i32
            %dma_wait3A_299 = tpu.memref_slice %run_scoped3A_18[%rem3A_295, %dma_wait3A, %dma_wait3A_298] : memref<2x256x128xf32, #tpu.memory_space<vmem>> -> memref<1x256x128xf32, #tpu.memory_space<vmem>>
            %dma_wait3A_300 = tpu.memref_squeeze %dma_wait3A_299 : memref<1x256x128xf32, #tpu.memory_space<vmem>> -> memref<256x128xf32, #tpu.memory_space<vmem>>
            %dma_wait3A_301 = arith.constant 0 : i32
            %dma_wait3A_302 = tpu.memref_slice %arg4[%mul3A_297, %dma_wait3A_301] : memref<18432x128xf32, #tpu.memory_space<hbm>> -> memref<256x128xf32, #tpu.memory_space<hbm>>
            %dma_wait3A_303 = tpu.memref_slice %run_scoped3A_19[%rem3A_295] : memref<2x!tpu.dma_semaphore, #tpu.memory_space<semaphore_mem>> -> memref<1x!tpu.dma_semaphore, #tpu.memory_space<semaphore_mem>>
            %dma_wait3A_304 = tpu.memref_squeeze %dma_wait3A_303 : memref<1x!tpu.dma_semaphore, #tpu.memory_space<semaphore_mem>> -> memref<!tpu.dma_semaphore, #tpu.memory_space<semaphore_mem>>
            %dma_wait3A_305 = arith.constant 0 : i32
            %dma_wait3A_306 = tpu.memref_slice %arg4[%mul3A_297, %dma_wait3A_305] : memref<18432x128xf32, #tpu.memory_space<hbm>> -> memref<256x128xf32, #tpu.memory_space<hbm>>
            %dma_wait3A_307 = arith.constant 0 : i32
            %dma_wait3A_308 = arith.constant 0 : i32
            %dma_wait3A_309 = tpu.memref_slice %run_scoped3A_18[%rem3A_295, %dma_wait3A_307, %dma_wait3A_308] : memref<2x256x128xf32, #tpu.memory_space<vmem>> -> memref<1x256x128xf32, #tpu.memory_space<vmem>>
            %dma_wait3A_310 = tpu.memref_squeeze %dma_wait3A_309 : memref<1x256x128xf32, #tpu.memory_space<vmem>> -> memref<256x128xf32, #tpu.memory_space<vmem>>
            tpu.wait_dma2 semaphore(%dma_wait3A_304 : memref<!tpu.dma_semaphore, #tpu.memory_space<semaphore_mem>>) src(%dma_wait3A_310 : memref<256x128xf32, #tpu.memory_space<vmem>>) dst(%dma_wait3A_306 : memref<256x128xf32, #tpu.memory_space<hbm>>)
            "tpu.trace_stop"() : () -> ()
          } else {
          }
          %and3A_275 = arith.constant true
          %and3A_276 = arith.andi %and3A_271, %and3A_275 : i1
          %add3A_277 = arith.constant 1 : i32
          %add3A_278 = arith.addi %while3A_146, %add3A_277 : i32
          %select_n3A_279 = arith.select %and3A_276, %add3A_278, %while3A_146 : i32
          %ne3A_280 = arith.cmpi ne, %add3A_155, %add3A_173 : i32
          %or3A_281 = arith.constant false
          %or3A_282 = arith.ori %or3A_281, %ne3A_280 : i1
          %or3A_283 = arith.ori %or3A_282, %eq3A_154 : i1
          %add3A_284 = arith.constant 1 : i32
          %add3A_285 = arith.addi %while3A_144, %add3A_284 : i32
          %select_n3A_286 = arith.select %or3A_283, %add3A_285, %while3A_144 : i32
          %add3A_287 = arith.constant 1 : i32
          %add3A_288 = arith.addi %while3A_147, %add3A_287 : i32
          %select_n3A_289 = arith.constant true
          %select_n3A_290 = arith.select %select_n3A_289, %add3A_288, %while3A_147 : i32
          %eq3A_291 = arith.cmpi eq, %select_n3A_290, %select_n3A : i32
          %select_n3A_292 = arith.constant 0 : i32
          %select_n3A_293 = arith.select %eq3A_291, %select_n3A_292, %select_n3A_290 : i32
          scf.yield %select_n3A_195, %select_n3A_286, %select_n3A_252, %select_n3A_279, %select_n3A_293 : i32, i32, i32, i32, i32
        }
        %while3A_89 = arith.constant 1 : i32
        %while3A_90:5 = scf.for %while3A_142 = %while3A_86 to %while3A_82 step %while3A_89 iter_args(%while3A_143 = %while3A_88#0, %while3A_144 = %while3A_88#1, %while3A_145 = %while3A_88#2, %while3A_146 = %while3A_88#3, %while3A_147 = %while3A_88#4) -> (i32, i32, i32, i32, i32)  : i32 {
          %mul3A_148 = arith.constant 1 : i32
          %mul3A_149 = arith.muli %mul3A_148, %select_n3A : i32
          %eq3A_150 = arith.constant 0 : i32
          %eq3A_151 = arith.cmpi eq, %while3A_142, %eq3A_150 : i32
          %sub3A_152 = arith.constant 1 : i32
          %sub3A_153 = arith.subi %mul3A_149, %sub3A_152 : i32
          %eq3A_154 = arith.cmpi eq, %while3A_142, %sub3A_153 : i32
          %add3A_155 = arith.addi %while3A_147, %select_n3A_14 : i32
          %sub3A_156 = arith.constant 1 : i32
          %sub3A_157 = arith.subi %while3A_147, %sub3A_156 : i32
          %select_n3A_158 = arith.constant true
          %select_n3A_159 = arith.select %select_n3A_158, %sub3A_157, %while3A_147 : i32
          %eq3A_160 = arith.constant -1 : i32
          %eq3A_161 = arith.cmpi eq, %select_n3A_159, %eq3A_160 : i32
          %sub3A_162 = arith.constant 1 : i32
          %sub3A_163 = arith.subi %select_n3A, %sub3A_162 : i32
          %select_n3A_164 = arith.select %eq3A_161, %sub3A_163, %select_n3A_159 : i32
          %add3A_165 = arith.addi %select_n3A_164, %select_n3A_14 : i32
          %add3A_166 = arith.constant 1 : i32
          %add3A_167 = arith.addi %while3A_147, %add3A_166 : i32
          %select_n3A_168 = arith.constant true
          %select_n3A_169 = arith.select %select_n3A_168, %add3A_167, %while3A_147 : i32
          %eq3A_170 = arith.cmpi eq, %select_n3A_169, %select_n3A : i32
          %select_n3A_171 = arith.constant 0 : i32
          %select_n3A_172 = arith.select %eq3A_170, %select_n3A_171, %select_n3A_169 : i32
          %add3A_173 = arith.addi %select_n3A_172, %select_n3A_14 : i32
          %add3A_174 = arith.constant 1 : i32
          %add3A_175 = arith.addi %select_n3A_172, %add3A_174 : i32
          %select_n3A_176 = arith.constant true
          %select_n3A_177 = arith.select %select_n3A_176, %add3A_175, %select_n3A_172 : i32
          %eq3A_178 = arith.cmpi eq, %select_n3A_177, %select_n3A : i32
          %select_n3A_179 = arith.constant 0 : i32
          %select_n3A_180 = arith.select %eq3A_178, %select_n3A_179, %select_n3A_177 : i32
          %add3A_181 = arith.addi %select_n3A_180, %select_n3A_14 : i32
          %ne3A = arith.cmpi ne, %add3A_155, %add3A_173 : i32
          %or3A = arith.constant false
          %or3A_182 = arith.ori %or3A, %ne3A : i1
          %sub3A_183 = arith.constant 2 : i32
          %sub3A_184 = arith.subi %mul3A_149, %sub3A_183 : i32
          %add3A_185 = arith.constant 1 : i32
          %add3A_186 = arith.addi %sub3A_184, %add3A_185 : i32
          %ge3A = arith.cmpi sge, %while3A_142, %add3A_186 : i32
          %not3A = arith.constant true
          %not3A_187 = arith.xori %ge3A, %not3A : i1
          %and3A = arith.andi %or3A_182, %not3A_187 : i1
          %convert_element_type3A_188 = arith.extui %and3A : i1 to i32
          %cond3A_189 = arith.constant 0 : i32
          %cond3A_190 = arith.cmpi ne, %convert_element_type3A_188, %cond3A_189 : i32
          scf.if %cond3A_190 {
            "tpu.trace_start"() <{level = 10 : i32, message = "ep_copy_in"}> : () -> ()
            %rem3A_294 = arith.constant 2 : i32
            %rem3A_295 = arith.remui %while3A_143, %rem3A_294 : i32
            %mul3A_296 = arith.constant 256 : i32
            %mul3A_297 = arith.muli %mul3A_296, %add3A_173 : i32
            %dma_start3A_298 = arith.constant 0 : i32
            %dma_start3A_299 = arith.constant 0 : i32
            %dma_start3A_300 = tpu.memref_slice %run_scoped3A[%rem3A_295, %dma_start3A_298, %dma_start3A_299] : memref<2x1x256xi32, #tpu.memory_space<vmem>> -> memref<1x1x256xi32, #tpu.memory_space<vmem>>
            %dma_start3A_301 = tpu.memref_squeeze %dma_start3A_300 : memref<1x1x256xi32, #tpu.memory_space<vmem>> -> memref<1x256xi32, #tpu.memory_space<vmem>>
            %dma_start3A_302 = arith.constant 0 : i32
            %dma_start3A_303 = tpu.memref_slice %arg3[%dma_start3A_302, %mul3A_297] : memref<1x18432xi32, #tpu.memory_space<hbm>> -> memref<1x256xi32, #tpu.memory_space<hbm>>
            %dma_start3A_304 = tpu.memref_slice %run_scoped3A_17[%rem3A_295] : memref<2x!tpu.dma_semaphore, #tpu.memory_space<semaphore_mem>> -> memref<1x!tpu.dma_semaphore, #tpu.memory_space<semaphore_mem>>
            %dma_start3A_305 = tpu.memref_squeeze %dma_start3A_304 : memref<1x!tpu.dma_semaphore, #tpu.memory_space<semaphore_mem>> -> memref<!tpu.dma_semaphore, #tpu.memory_space<semaphore_mem>>
            %dma_start3A_306 = arith.constant 0 : i32
            %dma_start3A_307 = arith.constant 0 : i32
            %dma_start3A_308 = tpu.memref_slice %run_scoped3A[%rem3A_295, %dma_start3A_306, %dma_start3A_307] : memref<2x1x256xi32, #tpu.memory_space<vmem>> -> memref<1x1x256xi32, #tpu.memory_space<vmem>>
            %dma_start3A_309 = tpu.memref_squeeze %dma_start3A_308 : memref<1x1x256xi32, #tpu.memory_space<vmem>> -> memref<1x256xi32, #tpu.memory_space<vmem>>
            %dma_start3A_310 = arith.constant 0 : i32
            %dma_start3A_311 = tpu.memref_slice %arg3[%dma_start3A_310, %mul3A_297] : memref<1x18432xi32, #tpu.memory_space<hbm>> -> memref<1x256xi32, #tpu.memory_space<hbm>>
            tpu.enqueue_dma source(%dma_start3A_311 : memref<1x256xi32, #tpu.memory_space<hbm>>) target(%dma_start3A_309 : memref<1x256xi32, #tpu.memory_space<vmem>>) target_semaphore(%dma_start3A_305 : memref<!tpu.dma_semaphore, #tpu.memory_space<semaphore_mem>>)
            "tpu.trace_stop"() : () -> ()
          } else {
          }
          %and3A_191 = arith.constant true
          %and3A_192 = arith.andi %and3A, %and3A_191 : i1
          %add3A_193 = arith.constant 1 : i32
          %add3A_194 = arith.addi %while3A_143, %add3A_193 : i32
          %select_n3A_195 = arith.select %and3A_192, %add3A_194, %while3A_143 : i32
          %ne3A_196 = arith.cmpi ne, %add3A_155, %add3A_173 : i32
          %or3A_197 = arith.constant false
          %or3A_198 = arith.ori %or3A_197, %ne3A_196 : i1
          %or3A_199 = arith.constant false
          %or3A_200 = arith.ori %or3A_198, %or3A_199 : i1
          %sub3A_201 = arith.constant 2 : i32
          %sub3A_202 = arith.subi %mul3A_149, %sub3A_201 : i32
          %add3A_203 = arith.constant 1 : i32
          %add3A_204 = arith.addi %sub3A_202, %add3A_203 : i32
          %ge3A_205 = arith.cmpi sge, %while3A_142, %add3A_204 : i32
          %not3A_206 = arith.constant true
          %not3A_207 = arith.xori %ge3A_205, %not3A_206 : i1
          %and3A_208 = arith.andi %or3A_200, %not3A_207 : i1
          %ne3A_209 = arith.cmpi ne, %add3A_155, %add3A_165 : i32
          %or3A_210 = arith.constant false
          %or3A_211 = arith.ori %or3A_210, %ne3A_209 : i1
          %or3A_212 = arith.ori %or3A_211, %eq3A_151 : i1
          %convert_element_type3A_213 = arith.extui %or3A_212 : i1 to i32
          %cond3A_214 = arith.constant 0 : i32
          %cond3A_215 = arith.cmpi ne, %convert_element_type3A_213, %cond3A_214 : i32
          scf.if %cond3A_215 {
            "tpu.trace_start"() <{level = 10 : i32, message = "ep_wait_in"}> : () -> ()
            %mul3A_294 = arith.constant 256 : i32
            %mul3A_295 = arith.muli %mul3A_294, %add3A_155 : i32
            %rem3A_296 = arith.constant 2 : i32
            %rem3A_297 = arith.remui %while3A_144, %rem3A_296 : i32
            %dma_wait3A = arith.constant 0 : i32
            %dma_wait3A_298 = arith.constant 0 : i32
            %dma_wait3A_299 = tpu.memref_slice %run_scoped3A[%rem3A_297, %dma_wait3A, %dma_wait3A_298] : memref<2x1x256xi32, #tpu.memory_space<vmem>> -> memref<1x1x256xi32, #tpu.memory_space<vmem>>
            %dma_wait3A_300 = tpu.memref_squeeze %dma_wait3A_299 : memref<1x1x256xi32, #tpu.memory_space<vmem>> -> memref<1x256xi32, #tpu.memory_space<vmem>>
            %dma_wait3A_301 = arith.constant 0 : i32
            %dma_wait3A_302 = tpu.memref_slice %arg3[%dma_wait3A_301, %mul3A_295] : memref<1x18432xi32, #tpu.memory_space<hbm>> -> memref<1x256xi32, #tpu.memory_space<hbm>>
            %dma_wait3A_303 = tpu.memref_slice %run_scoped3A_17[%rem3A_297] : memref<2x!tpu.dma_semaphore, #tpu.memory_space<semaphore_mem>> -> memref<1x!tpu.dma_semaphore, #tpu.memory_space<semaphore_mem>>
            %dma_wait3A_304 = tpu.memref_squeeze %dma_wait3A_303 : memref<1x!tpu.dma_semaphore, #tpu.memory_space<semaphore_mem>> -> memref<!tpu.dma_semaphore, #tpu.memory_space<semaphore_mem>>
            %dma_wait3A_305 = arith.constant 0 : i32
            %dma_wait3A_306 = arith.constant 0 : i32
            %dma_wait3A_307 = tpu.memref_slice %run_scoped3A[%rem3A_297, %dma_wait3A_305, %dma_wait3A_306] : memref<2x1x256xi32, #tpu.memory_space<vmem>> -> memref<1x1x256xi32, #tpu.memory_space<vmem>>
            %dma_wait3A_308 = tpu.memref_squeeze %dma_wait3A_307 : memref<1x1x256xi32, #tpu.memory_space<vmem>> -> memref<1x256xi32, #tpu.memory_space<vmem>>
            %dma_wait3A_309 = arith.constant 0 : i32
            %dma_wait3A_310 = tpu.memref_slice %arg3[%dma_wait3A_309, %mul3A_295] : memref<1x18432xi32, #tpu.memory_space<hbm>> -> memref<1x256xi32, #tpu.memory_space<hbm>>
            tpu.wait_dma2 semaphore(%dma_wait3A_304 : memref<!tpu.dma_semaphore, #tpu.memory_space<semaphore_mem>>) src(%dma_wait3A_310 : memref<1x256xi32, #tpu.memory_space<hbm>>) dst(%dma_wait3A_308 : memref<1x256xi32, #tpu.memory_space<vmem>>)
            "tpu.trace_stop"() : () -> ()
          } else {
          }
          %ne3A_216 = arith.cmpi ne, %add3A_155, %add3A_165 : i32
          %or3A_217 = arith.constant false
          %or3A_218 = arith.ori %or3A_217, %ne3A_216 : i1
          %or3A_219 = arith.constant false
          %or3A_220 = arith.ori %or3A_218, %or3A_219 : i1
          %or3A_221 = arith.ori %or3A_220, %eq3A_151 : i1
          %convert_element_type3A_222 = arith.extui %or3A_221 : i1 to i32
          %cond3A_223 = arith.constant 0 : i32
          %cond3A_224 = arith.cmpi ne, %convert_element_type3A_222, %cond3A_223 : i32
          scf.if %cond3A_224 {
          } else {
          }
          %rem3A_225 = arith.constant 2 : i32
          %rem3A_226 = arith.remui %while3A_144, %rem3A_225 : i32
          %rem3A_227 = arith.constant 2 : i32
          %rem3A_228 = arith.remui %while3A_145, %rem3A_227 : i32
          %run_scoped3A_229 = arith.constant 0 : i32
          "tpu.trace_start"() <{level = 10 : i32, message = "ep_run_kernel"}> : () -> ()
          "tpu.region"() ({
            %run_scoped3A_294 = tpu.sem_alloc : memref<!tpu.dma_semaphore, #tpu.memory_space<semaphore_mem>>
            %dma_start3A_295 = arith.constant 0 : i32
            %dma_start3A_296 = arith.constant 0 : i32
            %dma_start3A_297 = tpu.memref_slice %run_scoped3A_18[%rem3A_228, %dma_start3A_295, %dma_start3A_296] : memref<2x256x128xf32, #tpu.memory_space<vmem>> -> memref<1x256x128xf32, #tpu.memory_space<vmem>>
            %dma_start3A_298 = tpu.memref_squeeze %dma_start3A_297 : memref<1x256x128xf32, #tpu.memory_space<vmem>> -> memref<256x128xf32, #tpu.memory_space<vmem>>
            %dma_start3A_299 = arith.constant 0 : i32
            %dma_start3A_300 = arith.constant 0 : i32
            %dma_start3A_301 = tpu.memref_slice %run_scoped3A[%rem3A_226, %dma_start3A_299, %dma_start3A_300] : memref<2x1x256xi32, #tpu.memory_space<vmem>> -> memref<1x1x256xi32, #tpu.memory_space<vmem>>
            %dma_start3A_302 = tpu.memref_squeeze %dma_start3A_301 : memref<1x1x256xi32, #tpu.memory_space<vmem>> -> memref<1x256xi32, #tpu.memory_space<vmem>>
            %dma_start3A_303 = arith.constant 0 : i32
            %dma_start3A_304 = tpu.memref_slice %dma_start3A_302[%run_scoped3A_229, %dma_start3A_303] : memref<1x256xi32, #tpu.memory_space<vmem>> -> memref<1x256xi32, #tpu.memory_space<vmem>>
            %dma_start3A_305 = tpu.memref_squeeze %dma_start3A_304 : memref<1x256xi32, #tpu.memory_space<vmem>> -> memref<256xi32, #tpu.memory_space<vmem>>
            %dma_start3A_306 = arith.constant 0 : i32
            %dma_start3A_307 = arith.constant 0 : i32
            %dma_start3A_308 = tpu.memref_slice %arg2[%dma_start3A_306, %dma_start3A_307] : memref<18432x128xf32, #tpu.memory_space<hbm>> -> memref<18432x128xf32, #tpu.memory_space<hbm>>
            tpu.enqueue_indirect_dma source(%dma_start3A_308 : memref<18432x128xf32, #tpu.memory_space<hbm>>) target(%dma_start3A_298 : memref<256x128xf32, #tpu.memory_space<vmem>>) offsets(%dma_start3A_305 : memref<256xi32, #tpu.memory_space<vmem>>) semaphore(%run_scoped3A_294 : memref<!tpu.dma_semaphore, #tpu.memory_space<semaphore_mem>>)
            %dma_wait3A = arith.constant 0 : i32
            %dma_wait3A_309 = arith.constant 0 : i32
            %dma_wait3A_310 = tpu.memref_slice %run_scoped3A_18[%rem3A_228, %dma_wait3A, %dma_wait3A_309] : memref<2x256x128xf32, #tpu.memory_space<vmem>> -> memref<1x256x128xf32, #tpu.memory_space<vmem>>
            %dma_wait3A_311 = tpu.memref_squeeze %dma_wait3A_310 : memref<1x256x128xf32, #tpu.memory_space<vmem>> -> memref<256x128xf32, #tpu.memory_space<vmem>>
            %dma_wait3A_312 = arith.constant 0 : i32
            %dma_wait3A_313 = arith.constant 0 : i32
            %dma_wait3A_314 = tpu.memref_slice %run_scoped3A[%rem3A_226, %dma_wait3A_312, %dma_wait3A_313] : memref<2x1x256xi32, #tpu.memory_space<vmem>> -> memref<1x1x256xi32, #tpu.memory_space<vmem>>
            %dma_wait3A_315 = tpu.memref_squeeze %dma_wait3A_314 : memref<1x1x256xi32, #tpu.memory_space<vmem>> -> memref<1x256xi32, #tpu.memory_space<vmem>>
            %dma_wait3A_316 = arith.constant 0 : i32
            %dma_wait3A_317 = tpu.memref_slice %dma_wait3A_315[%run_scoped3A_229, %dma_wait3A_316] : memref<1x256xi32, #tpu.memory_space<vmem>> -> memref<1x256xi32, #tpu.memory_space<vmem>>
            %dma_wait3A_318 = tpu.memref_squeeze %dma_wait3A_317 : memref<1x256xi32, #tpu.memory_space<vmem>> -> memref<256xi32, #tpu.memory_space<vmem>>
            %dma_wait3A_319 = arith.constant 0 : i32
            %dma_wait3A_320 = arith.constant 0 : i32
            %dma_wait3A_321 = tpu.memref_slice %arg2[%dma_wait3A_319, %dma_wait3A_320] : memref<18432x128xf32, #tpu.memory_space<hbm>> -> memref<18432x128xf32, #tpu.memory_space<hbm>>
            tpu.wait_indirect_dma semaphore(%run_scoped3A_294 : memref<!tpu.dma_semaphore, #tpu.memory_space<semaphore_mem>>) src(%dma_wait3A_321 : memref<18432x128xf32, #tpu.memory_space<hbm>>) dst(%dma_wait3A_311 : memref<256x128xf32, #tpu.memory_space<vmem>>)
            tpu.yield
          }) : () -> ()
          "tpu.trace_stop"() : () -> ()
          %ne3A_230 = arith.cmpi ne, %add3A_155, %add3A_173 : i32
          %or3A_231 = arith.constant false
          %or3A_232 = arith.ori %or3A_231, %ne3A_230 : i1
          %or3A_233 = arith.ori %or3A_232, %eq3A_154 : i1
          %convert_element_type3A_234 = arith.extui %or3A_233 : i1 to i32
          %cond3A_235 = arith.constant 0 : i32
          %cond3A_236 = arith.cmpi ne, %convert_element_type3A_234, %cond3A_235 : i32
          scf.if %cond3A_236 {
          } else {
          }
          %and3A_237 = arith.constant false
          %and3A_238 = arith.andi %or3A_233, %and3A_237 : i1
          %ne3A_239 = arith.cmpi ne, %add3A_155, %add3A_173 : i32
          %or3A_240 = arith.constant false
          %or3A_241 = arith.ori %or3A_240, %ne3A_239 : i1
          %or3A_242 = arith.constant false
          %or3A_243 = arith.ori %or3A_241, %or3A_242 : i1
          %or3A_244 = arith.ori %or3A_243, %eq3A_154 : i1
          %convert_element_type3A_245 = arith.extui %or3A_244 : i1 to i32
          %cond3A_246 = arith.constant 0 : i32
          %cond3A_247 = arith.cmpi ne, %convert_element_type3A_245, %cond3A_246 : i32
          scf.if %cond3A_247 {
            "tpu.trace_start"() <{level = 10 : i32, message = "ep_copy_out"}> : () -> ()
            %rem3A_294 = arith.constant 2 : i32
            %rem3A_295 = arith.remui %while3A_145, %rem3A_294 : i32
            %mul3A_296 = arith.constant 256 : i32
            %mul3A_297 = arith.muli %mul3A_296, %add3A_155 : i32
            %dma_start3A_298 = arith.constant 0 : i32
            %dma_start3A_299 = arith.constant 0 : i32
            %dma_start3A_300 = tpu.memref_slice %run_scoped3A_18[%rem3A_295, %dma_start3A_298, %dma_start3A_299] : memref<2x256x128xf32, #tpu.memory_space<vmem>> -> memref<1x256x128xf32, #tpu.memory_space<vmem>>
            %dma_start3A_301 = tpu.memref_squeeze %dma_start3A_300 : memref<1x256x128xf32, #tpu.memory_space<vmem>> -> memref<256x128xf32, #tpu.memory_space<vmem>>
            %dma_start3A_302 = arith.constant 0 : i32
            %dma_start3A_303 = tpu.memref_slice %arg4[%mul3A_297, %dma_start3A_302] : memref<18432x128xf32, #tpu.memory_space<hbm>> -> memref<256x128xf32, #tpu.memory_space<hbm>>
            %dma_start3A_304 = tpu.memref_slice %run_scoped3A_19[%rem3A_295] : memref<2x!tpu.dma_semaphore, #tpu.memory_space<semaphore_mem>> -> memref<1x!tpu.dma_semaphore, #tpu.memory_space<semaphore_mem>>
            %dma_start3A_305 = tpu.memref_squeeze %dma_start3A_304 : memref<1x!tpu.dma_semaphore, #tpu.memory_space<semaphore_mem>> -> memref<!tpu.dma_semaphore, #tpu.memory_space<semaphore_mem>>
            %dma_start3A_306 = arith.constant 0 : i32
            %dma_start3A_307 = tpu.memref_slice %arg4[%mul3A_297, %dma_start3A_306] : memref<18432x128xf32, #tpu.memory_space<hbm>> -> memref<256x128xf32, #tpu.memory_space<hbm>>
            %dma_start3A_308 = arith.constant 0 : i32
            %dma_start3A_309 = arith.constant 0 : i32
            %dma_start3A_310 = tpu.memref_slice %run_scoped3A_18[%rem3A_295, %dma_start3A_308, %dma_start3A_309] : memref<2x256x128xf32, #tpu.memory_space<vmem>> -> memref<1x256x128xf32, #tpu.memory_space<vmem>>
            %dma_start3A_311 = tpu.memref_squeeze %dma_start3A_310 : memref<1x256x128xf32, #tpu.memory_space<vmem>> -> memref<256x128xf32, #tpu.memory_space<vmem>>
            tpu.enqueue_dma source(%dma_start3A_311 : memref<256x128xf32, #tpu.memory_space<vmem>>) target(%dma_start3A_307 : memref<256x128xf32, #tpu.memory_space<hbm>>) target_semaphore(%dma_start3A_305 : memref<!tpu.dma_semaphore, #tpu.memory_space<semaphore_mem>>)
            "tpu.trace_stop"() : () -> ()
          } else {
          }
          %and3A_248 = arith.constant true
          %and3A_249 = arith.andi %or3A_244, %and3A_248 : i1
          %add3A_250 = arith.constant 1 : i32
          %add3A_251 = arith.addi %while3A_145, %add3A_250 : i32
          %select_n3A_252 = arith.select %and3A_249, %add3A_251, %while3A_145 : i32
          %ne3A_253 = arith.cmpi ne, %add3A_155, %add3A_165 : i32
          %or3A_254 = arith.constant false
          %or3A_255 = arith.ori %or3A_254, %ne3A_253 : i1
          %not3A_256 = arith.constant true
          %not3A_257 = arith.xori %eq3A_151, %not3A_256 : i1
          %and3A_258 = arith.andi %or3A_255, %not3A_257 : i1
          %convert_element_type3A_259 = arith.extui %and3A_258 : i1 to i32
          %cond3A_260 = arith.constant 0 : i32
          %cond3A_261 = arith.cmpi ne, %convert_element_type3A_259, %cond3A_260 : i32
          scf.if %cond3A_261 {
          } else {
          }
          %and3A_262 = arith.constant false
          %and3A_263 = arith.andi %and3A_258, %and3A_262 : i1
          %ne3A_264 = arith.cmpi ne, %add3A_155, %add3A_165 : i32
          %or3A_265 = arith.constant false
          %or3A_266 = arith.ori %or3A_265, %ne3A_264 : i1
          %or3A_267 = arith.constant false
          %or3A_268 = arith.ori %or3A_266, %or3A_267 : i1
          %not3A_269 = arith.constant true
          %not3A_270 = arith.xori %eq3A_151, %not3A_269 : i1
          %and3A_271 = arith.andi %or3A_268, %not3A_270 : i1
          %convert_element_type3A_272 = arith.extui %and3A_271 : i1 to i32
          %cond3A_273 = arith.constant 0 : i32
          %cond3A_274 = arith.cmpi ne, %convert_element_type3A_272, %cond3A_273 : i32
          scf.if %cond3A_274 {
            "tpu.trace_start"() <{level = 10 : i32, message = "ep_wait_out"}> : () -> ()
            %rem3A_294 = arith.constant 2 : i32
            %rem3A_295 = arith.remui %while3A_146, %rem3A_294 : i32
            %mul3A_296 = arith.constant 256 : i32
            %mul3A_297 = arith.muli %mul3A_296, %add3A_165 : i32
            %dma_wait3A = arith.constant 0 : i32
            %dma_wait3A_298 = arith.constant 0 : i32
            %dma_wait3A_299 = tpu.memref_slice %run_scoped3A_18[%rem3A_295, %dma_wait3A, %dma_wait3A_298] : memref<2x256x128xf32, #tpu.memory_space<vmem>> -> memref<1x256x128xf32, #tpu.memory_space<vmem>>
            %dma_wait3A_300 = tpu.memref_squeeze %dma_wait3A_299 : memref<1x256x128xf32, #tpu.memory_space<vmem>> -> memref<256x128xf32, #tpu.memory_space<vmem>>
            %dma_wait3A_301 = arith.constant 0 : i32
            %dma_wait3A_302 = tpu.memref_slice %arg4[%mul3A_297, %dma_wait3A_301] : memref<18432x128xf32, #tpu.memory_space<hbm>> -> memref<256x128xf32, #tpu.memory_space<hbm>>
            %dma_wait3A_303 = tpu.memref_slice %run_scoped3A_19[%rem3A_295] : memref<2x!tpu.dma_semaphore, #tpu.memory_space<semaphore_mem>> -> memref<1x!tpu.dma_semaphore, #tpu.memory_space<semaphore_mem>>
            %dma_wait3A_304 = tpu.memref_squeeze %dma_wait3A_303 : memref<1x!tpu.dma_semaphore, #tpu.memory_space<semaphore_mem>> -> memref<!tpu.dma_semaphore, #tpu.memory_space<semaphore_mem>>
            %dma_wait3A_305 = arith.constant 0 : i32
            %dma_wait3A_306 = tpu.memref_slice %arg4[%mul3A_297, %dma_wait3A_305] : memref<18432x128xf32, #tpu.memory_space<hbm>> -> memref<256x128xf32, #tpu.memory_space<hbm>>
            %dma_wait3A_307 = arith.constant 0 : i32
            %dma_wait3A_308 = arith.constant 0 : i32
            %dma_wait3A_309 = tpu.memref_slice %run_scoped3A_18[%rem3A_295, %dma_wait3A_307, %dma_wait3A_308] : memref<2x256x128xf32, #tpu.memory_space<vmem>> -> memref<1x256x128xf32, #tpu.memory_space<vmem>>
            %dma_wait3A_310 = tpu.memref_squeeze %dma_wait3A_309 : memref<1x256x128xf32, #tpu.memory_space<vmem>> -> memref<256x128xf32, #tpu.memory_space<vmem>>
            tpu.wait_dma2 semaphore(%dma_wait3A_304 : memref<!tpu.dma_semaphore, #tpu.memory_space<semaphore_mem>>) src(%dma_wait3A_310 : memref<256x128xf32, #tpu.memory_space<vmem>>) dst(%dma_wait3A_306 : memref<256x128xf32, #tpu.memory_space<hbm>>)
            "tpu.trace_stop"() : () -> ()
          } else {
          }
          %and3A_275 = arith.constant true
          %and3A_276 = arith.andi %and3A_271, %and3A_275 : i1
          %add3A_277 = arith.constant 1 : i32
          %add3A_278 = arith.addi %while3A_146, %add3A_277 : i32
          %select_n3A_279 = arith.select %and3A_276, %add3A_278, %while3A_146 : i32
          %ne3A_280 = arith.cmpi ne, %add3A_155, %add3A_173 : i32
          %or3A_281 = arith.constant false
          %or3A_282 = arith.ori %or3A_281, %ne3A_280 : i1
          %or3A_283 = arith.ori %or3A_282, %eq3A_154 : i1
          %add3A_284 = arith.constant 1 : i32
          %add3A_285 = arith.addi %while3A_144, %add3A_284 : i32
          %select_n3A_286 = arith.select %or3A_283, %add3A_285, %while3A_144 : i32
          %add3A_287 = arith.constant 1 : i32
          %add3A_288 = arith.addi %while3A_147, %add3A_287 : i32
          %select_n3A_289 = arith.constant true
          %select_n3A_290 = arith.select %select_n3A_289, %add3A_288, %while3A_147 : i32
          %eq3A_291 = arith.cmpi eq, %select_n3A_290, %select_n3A : i32
          %select_n3A_292 = arith.constant 0 : i32
          %select_n3A_293 = arith.select %eq3A_291, %select_n3A_292, %select_n3A_290 : i32
          scf.yield %select_n3A_195, %select_n3A_286, %select_n3A_252, %select_n3A_279, %select_n3A_293 : i32, i32, i32, i32, i32
        }
        %sub3A_91 = arith.constant 1 : i32
        %sub3A_92 = arith.subi %while3A_90#4, %sub3A_91 : i32
        %select_n3A_93 = arith.constant true
        %select_n3A_94 = arith.select %select_n3A_93, %sub3A_92, %while3A_90#4 : i32
        %eq3A_95 = arith.constant -1 : i32
        %eq3A_96 = arith.cmpi eq, %select_n3A_94, %eq3A_95 : i32
        %sub3A_97 = arith.constant 1 : i32
        %sub3A_98 = arith.subi %select_n3A, %sub3A_97 : i32
        %select_n3A_99 = arith.select %eq3A_96, %sub3A_98, %select_n3A_94 : i32
        %sub3A_100 = arith.constant 1 : i32
        %sub3A_101 = arith.subi %mul3A_16, %sub3A_100 : i32
        %mul3A_102 = arith.constant 1 : i32
        %mul3A_103 = arith.muli %mul3A_102, %select_n3A : i32
        %eq3A_104 = arith.constant 0 : i32
        %eq3A_105 = arith.cmpi eq, %sub3A_101, %eq3A_104 : i32
        %sub3A_106 = arith.constant 1 : i32
        %sub3A_107 = arith.subi %mul3A_103, %sub3A_106 : i32
        %eq3A_108 = arith.cmpi eq, %sub3A_101, %sub3A_107 : i32
        %add3A_109 = arith.addi %select_n3A_99, %select_n3A_14 : i32
        %sub3A_110 = arith.constant 1 : i32
        %sub3A_111 = arith.subi %select_n3A_99, %sub3A_110 : i32
        %select_n3A_112 = arith.constant true
        %select_n3A_113 = arith.select %select_n3A_112, %sub3A_111, %select_n3A_99 : i32
        %eq3A_114 = arith.constant -1 : i32
        %eq3A_115 = arith.cmpi eq, %select_n3A_113, %eq3A_114 : i32
        %sub3A_116 = arith.constant 1 : i32
        %sub3A_117 = arith.subi %select_n3A, %sub3A_116 : i32
        %select_n3A_118 = arith.select %eq3A_115, %sub3A_117, %select_n3A_113 : i32
        %add3A_119 = arith.addi %select_n3A_118, %select_n3A_14 : i32
        %add3A_120 = arith.constant 1 : i32
        %add3A_121 = arith.addi %select_n3A_99, %add3A_120 : i32
        %select_n3A_122 = arith.constant true
        %select_n3A_123 = arith.select %select_n3A_122, %add3A_121, %select_n3A_99 : i32
        %eq3A_124 = arith.cmpi eq, %select_n3A_123, %select_n3A : i32
        %select_n3A_125 = arith.constant 0 : i32
        %select_n3A_126 = arith.select %eq3A_124, %select_n3A_125, %select_n3A_123 : i32
        %add3A_127 = arith.addi %select_n3A_126, %select_n3A_14 : i32
        %add3A_128 = arith.constant 1 : i32
        %add3A_129 = arith.addi %select_n3A_126, %add3A_128 : i32
        %select_n3A_130 = arith.constant true
        %select_n3A_131 = arith.select %select_n3A_130, %add3A_129, %select_n3A_126 : i32
        %eq3A_132 = arith.cmpi eq, %select_n3A_131, %select_n3A : i32
        %select_n3A_133 = arith.constant 0 : i32
        %select_n3A_134 = arith.select %eq3A_132, %select_n3A_133, %select_n3A_131 : i32
        %add3A_135 = arith.addi %select_n3A_134, %select_n3A_14 : i32
        %convert_element_type3A_136 = arith.extui %eq3A_108 : i1 to i32
        %cond3A_137 = arith.constant 0 : i32
        %cond3A_138 = arith.cmpi ne, %convert_element_type3A_136, %cond3A_137 : i32
        scf.if %cond3A_138 {
        } else {
        }
        %convert_element_type3A_139 = arith.extui %eq3A_108 : i1 to i32
        %cond3A_140 = arith.constant 0 : i32
        %cond3A_141 = arith.cmpi ne, %convert_element_type3A_139, %cond3A_140 : i32
        scf.if %cond3A_141 {
          "tpu.trace_start"() <{level = 10 : i32, message = "ep_finalize"}> : () -> ()
          %rem3A_142 = arith.constant 2 : i32
          %rem3A_143 = arith.remui %while3A_90#3, %rem3A_142 : i32
          %mul3A_144 = arith.constant 256 : i32
          %mul3A_145 = arith.muli %mul3A_144, %add3A_109 : i32
          %dma_wait3A = arith.constant 0 : i32
          %dma_wait3A_146 = arith.constant 0 : i32
          %dma_wait3A_147 = tpu.memref_slice %run_scoped3A_18[%rem3A_143, %dma_wait3A, %dma_wait3A_146] : memref<2x256x128xf32, #tpu.memory_space<vmem>> -> memref<1x256x128xf32, #tpu.memory_space<vmem>>
          %dma_wait3A_148 = tpu.memref_squeeze %dma_wait3A_147 : memref<1x256x128xf32, #tpu.memory_space<vmem>> -> memref<256x128xf32, #tpu.memory_space<vmem>>
          %dma_wait3A_149 = arith.constant 0 : i32
          %dma_wait3A_150 = tpu.memref_slice %arg4[%mul3A_145, %dma_wait3A_149] : memref<18432x128xf32, #tpu.memory_space<hbm>> -> memref<256x128xf32, #tpu.memory_space<hbm>>
          %dma_wait3A_151 = tpu.memref_slice %run_scoped3A_19[%rem3A_143] : memref<2x!tpu.dma_semaphore, #tpu.memory_space<semaphore_mem>> -> memref<1x!tpu.dma_semaphore, #tpu.memory_space<semaphore_mem>>
          %dma_wait3A_152 = tpu.memref_squeeze %dma_wait3A_151 : memref<1x!tpu.dma_semaphore, #tpu.memory_space<semaphore_mem>> -> memref<!tpu.dma_semaphore, #tpu.memory_space<semaphore_mem>>
          %dma_wait3A_153 = arith.constant 0 : i32
          %dma_wait3A_154 = tpu.memref_slice %arg4[%mul3A_145, %dma_wait3A_153] : memref<18432x128xf32, #tpu.memory_space<hbm>> -> memref<256x128xf32, #tpu.memory_space<hbm>>
          %dma_wait3A_155 = arith.constant 0 : i32
          %dma_wait3A_156 = arith.constant 0 : i32
          %dma_wait3A_157 = tpu.memref_slice %run_scoped3A_18[%rem3A_143, %dma_wait3A_155, %dma_wait3A_156] : memref<2x256x128xf32, #tpu.memory_space<vmem>> -> memref<1x256x128xf32, #tpu.memory_space<vmem>>
          %dma_wait3A_158 = tpu.memref_squeeze %dma_wait3A_157 : memref<1x256x128xf32, #tpu.memory_space<vmem>> -> memref<256x128xf32, #tpu.memory_space<vmem>>
          tpu.wait_dma2 semaphore(%dma_wait3A_152 : memref<!tpu.dma_semaphore, #tpu.memory_space<semaphore_mem>>) src(%dma_wait3A_158 : memref<256x128xf32, #tpu.memory_space<vmem>>) dst(%dma_wait3A_154 : memref<256x128xf32, #tpu.memory_space<hbm>>)
          "tpu.trace_stop"() : () -> ()
        } else {
        }
      } else {
      }
      tpu.yield
    }) : () -> ()
    return
  }
}

module attributes {stable_mosaic.version = 14 : i64} {
  func.func @_proj_prep_kernel(%arg0: i32, %arg1: memref<1x1024xi32, #tpu.memory_space<vmem>>, %arg2: memref<1x1024x768xf32, #tpu.memory_space<vmem>>, %arg3: memref<1x768x768xf32, #tpu.memory_space<vmem>>, %arg4: memref<1x1x768xf32, #tpu.memory_space<vmem>>, %arg5: memref<1x6x1024x128xf32, #tpu.memory_space<vmem>>, %arg6: memref<1x1x6144xi32, #tpu.memory_space<vmem>>) attributes {dimension_semantics = [#tpu.dimension_semantics<arbitrary>], iteration_bounds = array<i64: 3>, scalar_prefetch = 0 : i64, scratch_operands = 0 : i64, tpu.core_type = #tpu.core_type<tc>, window_params = [{pipeline_mode = #tpu.pipeline_mode<synchronous>, transform_indices = @transform_0, window_bounds = array<i64: 1, 1024>}, {transform_indices = @transform_1, window_bounds = array<i64: 1, 1024, 768>}, {transform_indices = @transform_2, window_bounds = array<i64: 1, 768, 768>}, {transform_indices = @transform_3, window_bounds = array<i64: 1, 1, 768>}, {transform_indices = @transform_4, window_bounds = array<i64: 1, 6, 1024, 128>}, {transform_indices = @transform_5, window_bounds = array<i64: 1, 1, 6144>}]} {
    %add3A = arith.constant 1 : i32
    %add3A_0 = arith.addi %arg0, %add3A : i32
    %get3A = arith.constant 0 : index
    %get3A_1 = arith.constant 0 : index
    %get3A_2 = vector.load %arg1[%get3A, %get3A_1] : memref<1x1024xi32, #tpu.memory_space<vmem>>, vector<1x1024xi32>
    %eq3A = vector.broadcast %add3A_0 : i32 to vector<1x1024xi32>
    %eq3A_3 = arith.cmpi eq, %get3A_2, %eq3A : vector<1x1024xi32>
    %jit3A = arith.constant 0.000000e+00 : f32
    %jit3A_4 = arith.constant 1.000000e+00 : f32
    %broadcast_in_dim3A = vector.broadcast %jit3A : f32 to vector<1x1024xf32>
    %broadcast_in_dim3A_5 = vector.broadcast %jit3A_4 : f32 to vector<1x1024xf32>
    %select_n3A = arith.select %eq3A_3, %broadcast_in_dim3A, %broadcast_in_dim3A_5 : vector<1x1024xi1>, vector<1x1024xf32>
    %get3A_6 = arith.constant 0 : index
    %get3A_7 = arith.constant 0 : index
    %get3A_8 = arith.constant 0 : index
    %get3A_9 = vector.load %arg2[%get3A_6, %get3A_7, %get3A_8] : memref<1x1024x768xf32, #tpu.memory_space<vmem>>, vector<1x1024x768xf32>
    %get3A_10 = vector.shape_cast %get3A_9 : vector<1x1024x768xf32> to vector<1024x768xf32>
    %get3A_11 = arith.constant 0 : index
    %get3A_12 = arith.constant 0 : index
    %get3A_13 = arith.constant 0 : index
    %get3A_14 = vector.load %arg3[%get3A_11, %get3A_12, %get3A_13] : memref<1x768x768xf32, #tpu.memory_space<vmem>>, vector<1x768x768xf32>
    %get3A_15 = vector.shape_cast %get3A_14 : vector<1x768x768xf32> to vector<768x768xf32>
    %dot_general3A = arith.constant dense<0.000000e+00> : vector<1024x768xf32>
    %dot_general3A_16 = tpu.matmul %get3A_10, %get3A_15, %dot_general3A {dimension_numbers = #tpu.dot_dimension_numbers<[1], [0], [0], [1], [0, 0, 1, 1], [], []>, transpose_lhs_hint = false} : vector<1024x768xf32>, vector<768x768xf32>, vector<1024x768xf32> -> vector<1024x768xf32>
    %get3A_17 = arith.constant 0 : index
    %get3A_18 = arith.constant 0 : index
    %get3A_19 = arith.constant 0 : index
    %get3A_20 = vector.load %arg4[%get3A_17, %get3A_18, %get3A_19] : memref<1x1x768xf32, #tpu.memory_space<vmem>>, vector<1x1x768xf32>
    %get3A_21 = vector.shape_cast %get3A_20 : vector<1x1x768xf32> to vector<1x768xf32>
    %add3A_22 = vector.broadcast %get3A_21 : vector<1x768xf32> to vector<1024x768xf32>
    %add3A_23 = arith.addf %dot_general3A_16, %add3A_22 : vector<1024x768xf32>
    %slice3A = vector.extract_strided_slice %add3A_23 {offsets = [0, 0], sizes = [1024, 128], strides = [1, 1]} : vector<1024x768xf32> to vector<1024x128xf32>
    %swap3A = arith.constant 0 : index
    %swap3A_24 = arith.constant 0 : index
    %swap3A_25 = arith.constant 0 : index
    %swap3A_26 = arith.constant 0 : index
    %swap3A_27 = vector.load %arg5[%swap3A, %swap3A_24, %swap3A_25, %swap3A_26] : memref<1x6x1024x128xf32, #tpu.memory_space<vmem>>, vector<1x1x1024x128xf32>
    %swap3A_28 = vector.shape_cast %swap3A_27 : vector<1x1x1024x128xf32> to vector<1024x128xf32>
    %swap3A_29 = vector.shape_cast %slice3A : vector<1024x128xf32> to vector<1x1x1024x128xf32>
    tpu.vector_store %arg5[%swap3A, %swap3A_24, %swap3A_25, %swap3A_26], %swap3A_29 {strides = array<i32>} : memref<1x6x1024x128xf32, #tpu.memory_space<vmem>>, vector<1x1x1024x128xf32>,
    %slice3A_30 = vector.extract_strided_slice %add3A_23 {offsets = [0, 128], sizes = [1024, 128], strides = [1, 1]} : vector<1024x768xf32> to vector<1024x128xf32>
    %swap3A_31 = arith.constant 0 : index
    %swap3A_32 = arith.constant 1 : index
    %swap3A_33 = arith.constant 0 : index
    %swap3A_34 = arith.constant 0 : index
    %swap3A_35 = vector.load %arg5[%swap3A_31, %swap3A_32, %swap3A_33, %swap3A_34] : memref<1x6x1024x128xf32, #tpu.memory_space<vmem>>, vector<1x1x1024x128xf32>
    %swap3A_36 = vector.shape_cast %swap3A_35 : vector<1x1x1024x128xf32> to vector<1024x128xf32>
    %swap3A_37 = vector.shape_cast %slice3A_30 : vector<1024x128xf32> to vector<1x1x1024x128xf32>
    tpu.vector_store %arg5[%swap3A_31, %swap3A_32, %swap3A_33, %swap3A_34], %swap3A_37 {strides = array<i32>} : memref<1x6x1024x128xf32, #tpu.memory_space<vmem>>, vector<1x1x1024x128xf32>,
    %slice3A_38 = vector.extract_strided_slice %add3A_23 {offsets = [0, 256], sizes = [1024, 128], strides = [1, 1]} : vector<1024x768xf32> to vector<1024x128xf32>
    %swap3A_39 = arith.constant 0 : index
    %swap3A_40 = arith.constant 2 : index
    %swap3A_41 = arith.constant 0 : index
    %swap3A_42 = arith.constant 0 : index
    %swap3A_43 = vector.load %arg5[%swap3A_39, %swap3A_40, %swap3A_41, %swap3A_42] : memref<1x6x1024x128xf32, #tpu.memory_space<vmem>>, vector<1x1x1024x128xf32>
    %swap3A_44 = vector.shape_cast %swap3A_43 : vector<1x1x1024x128xf32> to vector<1024x128xf32>
    %swap3A_45 = vector.shape_cast %slice3A_38 : vector<1024x128xf32> to vector<1x1x1024x128xf32>
    tpu.vector_store %arg5[%swap3A_39, %swap3A_40, %swap3A_41, %swap3A_42], %swap3A_45 {strides = array<i32>} : memref<1x6x1024x128xf32, #tpu.memory_space<vmem>>, vector<1x1x1024x128xf32>,
    %slice3A_46 = vector.extract_strided_slice %add3A_23 {offsets = [0, 384], sizes = [1024, 128], strides = [1, 1]} : vector<1024x768xf32> to vector<1024x128xf32>
    %swap3A_47 = arith.constant 0 : index
    %swap3A_48 = arith.constant 3 : index
    %swap3A_49 = arith.constant 0 : index
    %swap3A_50 = arith.constant 0 : index
    %swap3A_51 = vector.load %arg5[%swap3A_47, %swap3A_48, %swap3A_49, %swap3A_50] : memref<1x6x1024x128xf32, #tpu.memory_space<vmem>>, vector<1x1x1024x128xf32>
    %swap3A_52 = vector.shape_cast %swap3A_51 : vector<1x1x1024x128xf32> to vector<1024x128xf32>
    %swap3A_53 = vector.shape_cast %slice3A_46 : vector<1024x128xf32> to vector<1x1x1024x128xf32>
    tpu.vector_store %arg5[%swap3A_47, %swap3A_48, %swap3A_49, %swap3A_50], %swap3A_53 {strides = array<i32>} : memref<1x6x1024x128xf32, #tpu.memory_space<vmem>>, vector<1x1x1024x128xf32>,
    %slice3A_54 = vector.extract_strided_slice %add3A_23 {offsets = [0, 512], sizes = [1024, 128], strides = [1, 1]} : vector<1024x768xf32> to vector<1024x128xf32>
    %swap3A_55 = arith.constant 0 : index
    %swap3A_56 = arith.constant 4 : index
    %swap3A_57 = arith.constant 0 : index
    %swap3A_58 = arith.constant 0 : index
    %swap3A_59 = vector.load %arg5[%swap3A_55, %swap3A_56, %swap3A_57, %swap3A_58] : memref<1x6x1024x128xf32, #tpu.memory_space<vmem>>, vector<1x1x1024x128xf32>
    %swap3A_60 = vector.shape_cast %swap3A_59 : vector<1x1x1024x128xf32> to vector<1024x128xf32>
    %swap3A_61 = vector.shape_cast %slice3A_54 : vector<1024x128xf32> to vector<1x1x1024x128xf32>
    tpu.vector_store %arg5[%swap3A_55, %swap3A_56, %swap3A_57, %swap3A_58], %swap3A_61 {strides = array<i32>} : memref<1x6x1024x128xf32, #tpu.memory_space<vmem>>, vector<1x1x1024x128xf32>,
    %slice3A_62 = vector.extract_strided_slice %add3A_23 {offsets = [0, 640], sizes = [1024, 128], strides = [1, 1]} : vector<1024x768xf32> to vector<1024x128xf32>
    %swap3A_63 = arith.constant 0 : index
    %swap3A_64 = arith.constant 5 : index
    %swap3A_65 = arith.constant 0 : index
    %swap3A_66 = arith.constant 0 : index
    %swap3A_67 = vector.load %arg5[%swap3A_63, %swap3A_64, %swap3A_65, %swap3A_66] : memref<1x6x1024x128xf32, #tpu.memory_space<vmem>>, vector<1x1x1024x128xf32>
    %swap3A_68 = vector.shape_cast %swap3A_67 : vector<1x1x1024x128xf32> to vector<1024x128xf32>
    %swap3A_69 = vector.shape_cast %slice3A_62 : vector<1024x128xf32> to vector<1x1x1024x128xf32>
    tpu.vector_store %arg5[%swap3A_63, %swap3A_64, %swap3A_65, %swap3A_66], %swap3A_69 {strides = array<i32>} : memref<1x6x1024x128xf32, #tpu.memory_space<vmem>>, vector<1x1x1024x128xf32>,
    %iota3A = tpu.iota {dimensions = array<i32: 0>} : vector<1024x1024xi32>
    %iota3A_70 = tpu.iota {dimensions = array<i32: 1>} : vector<1024x1024xi32>
    %le3A = arith.cmpi sle, %iota3A, %iota3A_70 : vector<1024x1024xi32>
    %jit3A_71 = arith.constant 1.000000e+00 : f32
    %jit3A_72 = arith.constant 0.000000e+00 : f32
    %broadcast_in_dim3A_73 = vector.broadcast %jit3A_71 : f32 to vector<1024x1024xf32>
    %broadcast_in_dim3A_74 = vector.broadcast %jit3A_72 : f32 to vector<1024x1024xf32>
    %select_n3A_75 = arith.select %le3A, %broadcast_in_dim3A_73, %broadcast_in_dim3A_74 : vector<1024x1024xi1>, vector<1024x1024xf32>
    %dot_general3A_76 = arith.constant dense<0.000000e+00> : vector<1x1024xf32>
    %dot_general3A_77 = tpu.matmul %select_n3A, %select_n3A_75, %dot_general3A_76 {dimension_numbers = #tpu.dot_dimension_numbers<[1], [0], [0], [1], [0, 0, 1, 1], [], []>, transpose_lhs_hint = false} : vector<1x1024xf32>, vector<1024x1024xf32>, vector<1x1024xf32> -> vector<1x1024xf32>
    %reduce_sum3A = vector.shape_cast %select_n3A : vector<1x1024xf32> to vector<1x1x1024xf32>
    %reduce_sum3A_78 = arith.constant dense<0.000000e+00> : vector<1xf32>
    %reduce_sum3A_79 = vector.multi_reduction <add>, %reduce_sum3A, %reduce_sum3A_78 [1, 2] : vector<1x1x1024xf32> to vector<1xf32>
    %reduce_sum3A_80 = vector.shape_cast %reduce_sum3A_79 : vector<1xf32> to vector<1x1x1xf32>
    %reduce_sum3A_81 = vector.extract %reduce_sum3A_80[0, 0, 0] : f32 from vector<1x1x1xf32>
    %broadcast_in_dim3A_82 = vector.broadcast %reduce_sum3A_81 : f32 to vector<1x1xf32>
    %sub3A = arith.constant 1.000000e+03 : f32
    %sub3A_83 = vector.broadcast %sub3A : f32 to vector<1x1xf32>
    %sub3A_84 = arith.subf %broadcast_in_dim3A_82, %sub3A_83 : vector<1x1xf32>
    %max3A = arith.constant 0.000000e+00 : f32
    %max3A_85 = vector.broadcast %max3A : f32 to vector<1x1xf32>
    %max3A_86 = arith.maximumf %sub3A_84, %max3A_85 : vector<1x1xf32>
    %sub3A_87 = arith.constant 1.000000e+00 : f32
    %sub3A_88 = vector.broadcast %sub3A_87 : f32 to vector<1x1024xf32>
    %sub3A_89 = arith.subf %dot_general3A_77, %sub3A_88 : vector<1x1024xf32>
    %sub3A_90 = vector.broadcast %max3A_86 : vector<1x1xf32> to vector<1x1024xf32>
    %sub3A_91 = arith.subf %sub3A_89, %sub3A_90 : vector<1x1024xf32>
    %convert_element_type3A = arith.sitofp %iota3A : vector<1024x1024xi32> to vector<1024x1024xf32>
    %eq3A_92 = vector.broadcast %sub3A_91 : vector<1x1024xf32> to vector<1024x1024xf32>
    %eq3A_93 = arith.cmpf oeq, %convert_element_type3A, %eq3A_92 : vector<1024x1024xf32>
    %gt3A = arith.constant 0.000000e+00 : f32
    %gt3A_94 = vector.broadcast %gt3A : f32 to vector<1x1024xf32>
    %gt3A_95 = arith.cmpf ogt, %select_n3A, %gt3A_94 : vector<1x1024xf32>
    %and3A = vector.broadcast %gt3A_95 : vector<1x1024xi1> to vector<1024x1024xi1>
    %and3A_96 = arith.andi %eq3A_93, %and3A : vector<1024x1024xi1>
    %jit3A_97 = arith.constant 1.000000e+00 : f32
    %jit3A_98 = arith.constant 0.000000e+00 : f32
    %broadcast_in_dim3A_99 = vector.broadcast %jit3A_97 : f32 to vector<1024x1024xf32>
    %broadcast_in_dim3A_100 = vector.broadcast %jit3A_98 : f32 to vector<1024x1024xf32>
    %select_n3A_101 = arith.select %and3A_96, %broadcast_in_dim3A_99, %broadcast_in_dim3A_100 : vector<1024x1024xi1>, vector<1024x1024xf32>
    %iota3A_102 = tpu.iota {dimensions = array<i32: 0>} : vector<1024x1xi32>
    %convert_element_type3A_103 = arith.sitofp %iota3A_102 : vector<1024x1xi32> to vector<1024x1xf32>
    %convert_element_type3A_104 = arith.sitofp %iota3A_70 : vector<1024x1024xi32> to vector<1024x1024xf32>
    %mul3A = arith.mulf %select_n3A_101, %convert_element_type3A_104 : vector<1024x1024xf32>
    %reduce_sum3A_105 = arith.constant dense<0.000000e+00> : vector<1024xf32>
    %reduce_sum3A_106 = vector.multi_reduction <add>, %mul3A, %reduce_sum3A_105 [1] : vector<1024x1024xf32> to vector<1024xf32>
    %broadcast_in_dim3A_107 = vector.shape_cast %reduce_sum3A_106 : vector<1024xf32> to vector<1024x1xf32>
    %reduce_sum3A_108 = arith.constant dense<0.000000e+00> : vector<1024xf32>
    %reduce_sum3A_109 = vector.multi_reduction <add>, %select_n3A_101, %reduce_sum3A_108 [1] : vector<1024x1024xf32> to vector<1024xf32>
    %broadcast_in_dim3A_110 = vector.shape_cast %reduce_sum3A_109 : vector<1024xf32> to vector<1024x1xf32>
    %sub3A_111 = arith.constant 1.000000e+00 : f32
    %sub3A_112 = vector.broadcast %sub3A_111 : f32 to vector<1024x1xf32>
    %sub3A_113 = arith.subf %sub3A_112, %broadcast_in_dim3A_110 : vector<1024x1xf32>
    %mul3A_114 = arith.mulf %sub3A_113, %convert_element_type3A_103 : vector<1024x1xf32>
    %add3A_115 = arith.addf %broadcast_in_dim3A_107, %mul3A_114 : vector<1024x1xf32>
    %transpose3A = tpu.transpose %add3A_115, [1, 0] : vector<1024x1xf32> -> vector<1x1024xf32>
    %mul3A_116 = arith.constant 6144 : i32
    %mul3A_117 = arith.muli %arg0, %mul3A_116 : i32
    %convert_element_type3A_118 = arith.sitofp %mul3A_117 : i32 to f32
    %add3A_119 = arith.constant 0.000000e+00 : f32
    %add3A_120 = arith.addf %convert_element_type3A_118, %add3A_119 : f32
    %add3A_121 = vector.broadcast %add3A_120 : f32 to vector<1x1024xf32>
    %add3A_122 = arith.addf %transpose3A, %add3A_121 : vector<1x1024xf32>
    %add3A_123 = arith.constant 1.024000e+03 : f32
    %add3A_124 = arith.addf %convert_element_type3A_118, %add3A_123 : f32
    %add3A_125 = vector.broadcast %add3A_124 : f32 to vector<1x1024xf32>
    %add3A_126 = arith.addf %transpose3A, %add3A_125 : vector<1x1024xf32>
    %add3A_127 = arith.constant 2.048000e+03 : f32
    %add3A_128 = arith.addf %convert_element_type3A_118, %add3A_127 : f32
    %add3A_129 = vector.broadcast %add3A_128 : f32 to vector<1x1024xf32>
    %add3A_130 = arith.addf %transpose3A, %add3A_129 : vector<1x1024xf32>
    %add3A_131 = arith.constant 3.072000e+03 : f32
    %add3A_132 = arith.addf %convert_element_type3A_118, %add3A_131 : f32
    %add3A_133 = vector.broadcast %add3A_132 : f32 to vector<1x1024xf32>
    %add3A_134 = arith.addf %transpose3A, %add3A_133 : vector<1x1024xf32>
    %add3A_135 = arith.constant 4.096000e+03 : f32
    %add3A_136 = arith.addf %convert_element_type3A_118, %add3A_135 : f32
    %add3A_137 = vector.broadcast %add3A_136 : f32 to vector<1x1024xf32>
    %add3A_138 = arith.addf %transpose3A, %add3A_137 : vector<1x1024xf32>
    %add3A_139 = arith.constant 5.120000e+03 : f32
    %add3A_140 = arith.addf %convert_element_type3A_118, %add3A_139 : f32
    %add3A_141 = vector.broadcast %add3A_140 : f32 to vector<1x1024xf32>
    %add3A_142 = arith.addf %transpose3A, %add3A_141 : vector<1x1024xf32>
    %concatenate3A = tpu.concatenate %add3A_122, %add3A_126, %add3A_130, %add3A_134, %add3A_138, %add3A_142 in 1 : vector<1x1024xf32>, vector<1x1024xf32>, vector<1x1024xf32>, vector<1x1024xf32>, vector<1x1024xf32>, vector<1x1024xf32> -> vector<1x6144xf32>
    %convert_element_type3A_143 = arith.fptosi %concatenate3A : vector<1x6144xf32> to vector<1x6144xi32>
    %swap3A_144 = arith.constant 0 : index
    %swap3A_145 = arith.constant 0 : index
    %swap3A_146 = arith.constant 0 : index
    %swap3A_147 = vector.load %arg6[%swap3A_144, %swap3A_145, %swap3A_146] : memref<1x1x6144xi32, #tpu.memory_space<vmem>>, vector<1x1x6144xi32>
    %swap3A_148 = vector.shape_cast %swap3A_147 : vector<1x1x6144xi32> to vector<1x6144xi32>
    %swap3A_149 = vector.shape_cast %convert_element_type3A_143 : vector<1x6144xi32> to vector<1x1x6144xi32>
    tpu.vector_store %arg6[%swap3A_144, %swap3A_145, %swap3A_146], %swap3A_149 {strides = array<i32>} : memref<1x1x6144xi32, #tpu.memory_space<vmem>>, vector<1x1x6144xi32>,
    return
  }
  func.func @transform_0(%arg0: i32) -> (i32, i32) {
    %c0_i32 = arith.constant 0 : i32
    %c0_i32_0 = arith.constant 0 : i32
    %c0_i32_1 = arith.constant 0 : i32
    return %c0_i32, %c0_i32_0 : i32, i32
  }
  func.func @transform_1(%arg0: i32) -> (i32, i32, i32) {
    %c0_i32 = arith.constant 0 : i32
    %c0_i32_0 = arith.constant 0 : i32
    %c0_i32_1 = arith.constant 0 : i32
    return %arg0, %c0_i32, %c0_i32_0 : i32, i32, i32
  }
  func.func @transform_2(%arg0: i32) -> (i32, i32, i32) {
    %c0_i32 = arith.constant 0 : i32
    %c0_i32_0 = arith.constant 0 : i32
    %c0_i32_1 = arith.constant 0 : i32
    return %arg0, %c0_i32, %c0_i32_0 : i32, i32, i32
  }
  func.func @transform_3(%arg0: i32) -> (i32, i32, i32) {
    %c0_i32 = arith.constant 0 : i32
    %c0_i32_0 = arith.constant 0 : i32
    %c0_i32_1 = arith.constant 0 : i32
    return %arg0, %c0_i32, %c0_i32_0 : i32, i32, i32
  }
  func.func @transform_4(%arg0: i32) -> (i32, i32, i32, i32) {
    %c0_i32 = arith.constant 0 : i32
    %c0_i32_0 = arith.constant 0 : i32
    %c0_i32_1 = arith.constant 0 : i32
    %c0_i32_2 = arith.constant 0 : i32
    return %arg0, %c0_i32, %c0_i32_0, %c0_i32_1 : i32, i32, i32, i32
  }
  func.func @transform_5(%arg0: i32) -> (i32, i32, i32) {
    %c0_i32 = arith.constant 0 : i32
    %c0_i32_0 = arith.constant 0 : i32
    %c0_i32_1 = arith.constant 0 : i32
    return %arg0, %c0_i32, %c0_i32_0 : i32, i32, i32
  }
}

module attributes {stable_mosaic.version = 14 : i64} {
  func.func @_main_kernel(%arg0: i32, %arg1: memref<1x1024xi32, #tpu.memory_space<vmem>>, %arg2: memref<1x6x1024x128xf32, #tpu.memory_space<vmem>>, %arg3: memref<1x6x1024x128xf32, #tpu.memory_space<vmem>>, %arg4: memref<768x768xf32, #tpu.memory_space<vmem>>, %arg5: memref<1x768xf32, #tpu.memory_space<vmem>>, %arg6: memref<768x1xf32, #tpu.memory_space<vmem>>, %arg7: memref<1x1xf32, #tpu.memory_space<vmem>>, %arg8: memref<1024x1xf32, #tpu.memory_space<vmem>>, %arg9: memref<1024x768xf32, #tpu.memory_space<vmem>>) attributes {dimension_semantics = [#tpu.dimension_semantics<arbitrary>], iteration_bounds = array<i64: 3>, scalar_prefetch = 0 : i64, scratch_operands = 1 : i64, tpu.core_type = #tpu.core_type<tc>, window_params = [{pipeline_mode = #tpu.pipeline_mode<synchronous>, transform_indices = @transform_0, window_bounds = array<i64: 1, 1024>}, {transform_indices = @transform_1, window_bounds = array<i64: 1, 6, 1024, 128>}, {transform_indices = @transform_2, window_bounds = array<i64: 1, 6, 1024, 128>}, {transform_indices = @transform_3, window_bounds = array<i64: 768, 768>}, {pipeline_mode = #tpu.pipeline_mode<synchronous>, transform_indices = @transform_4, window_bounds = array<i64: 1, 768>}, {pipeline_mode = #tpu.pipeline_mode<synchronous>, transform_indices = @transform_5, window_bounds = array<i64: 768, 1>}, {pipeline_mode = #tpu.pipeline_mode<synchronous>, transform_indices = @transform_6, window_bounds = array<i64: 1, 1>}, {pipeline_mode = #tpu.pipeline_mode<synchronous>, transform_indices = @transform_7, window_bounds = array<i64: 1024, 1>}]} {
    %add3A = arith.constant 1 : i32
    %add3A_0 = arith.addi %arg0, %add3A : i32
    %get3A = arith.constant 0 : index
    %get3A_1 = arith.constant 0 : index
    %get3A_2 = vector.load %arg1[%get3A, %get3A_1] : memref<1x1024xi32, #tpu.memory_space<vmem>>, vector<1x1024xi32>
    %eq3A = vector.broadcast %add3A_0 : i32 to vector<1x1024xi32>
    %eq3A_3 = arith.cmpi eq, %get3A_2, %eq3A : vector<1x1024xi32>
    %jit3A = arith.constant 0.000000e+00 : f32
    %jit3A_4 = arith.constant 1.000000e+00 : f32
    %broadcast_in_dim3A = vector.broadcast %jit3A : f32 to vector<1x1024xf32>
    %broadcast_in_dim3A_5 = vector.broadcast %jit3A_4 : f32 to vector<1x1024xf32>
    %select_n3A = arith.select %eq3A_3, %broadcast_in_dim3A, %broadcast_in_dim3A_5 : vector<1x1024xi1>, vector<1x1024xf32>
    %reduce_sum3A = vector.shape_cast %select_n3A : vector<1x1024xf32> to vector<1x1x1024xf32>
    %reduce_sum3A_6 = arith.constant dense<0.000000e+00> : vector<1xf32>
    %reduce_sum3A_7 = vector.multi_reduction <add>, %reduce_sum3A, %reduce_sum3A_6 [1, 2] : vector<1x1x1024xf32> to vector<1xf32>
    %reduce_sum3A_8 = vector.shape_cast %reduce_sum3A_7 : vector<1xf32> to vector<1x1x1xf32>
    %reduce_sum3A_9 = vector.extract %reduce_sum3A_8[0, 0, 0] : f32 from vector<1x1x1xf32>
    %broadcast_in_dim3A_10 = vector.broadcast %reduce_sum3A_9 : f32 to vector<1x1xf32>
    %min3A = arith.constant 1.000000e+03 : f32
    %min3A_11 = vector.broadcast %min3A : f32 to vector<1x1xf32>
    %min3A_12 = arith.minimumf %broadcast_in_dim3A_10, %min3A_11 : vector<1x1xf32>
    %iota3A = tpu.iota {dimensions = array<i32: 1>} : vector<1024x1024xi32>
    %get3A_13 = arith.constant 0 : index
    %get3A_14 = arith.constant 0 : index
    %get3A_15 = arith.constant 0 : index
    %get3A_16 = arith.constant 0 : index
    %get3A_17 = vector.load %arg3[%get3A_13, %get3A_14, %get3A_15, %get3A_16] : memref<1x6x1024x128xf32, #tpu.memory_space<vmem>>, vector<1x1x1024x128xf32>
    %get3A_18 = vector.shape_cast %get3A_17 : vector<1x1x1024x128xf32> to vector<1024x128xf32>
    %get3A_19 = arith.constant 0 : index
    %get3A_20 = arith.constant 1 : index
    %get3A_21 = arith.constant 0 : index
    %get3A_22 = arith.constant 0 : index
    %get3A_23 = vector.load %arg3[%get3A_19, %get3A_20, %get3A_21, %get3A_22] : memref<1x6x1024x128xf32, #tpu.memory_space<vmem>>, vector<1x1x1024x128xf32>
    %get3A_24 = vector.shape_cast %get3A_23 : vector<1x1x1024x128xf32> to vector<1024x128xf32>
    %get3A_25 = arith.constant 0 : index
    %get3A_26 = arith.constant 2 : index
    %get3A_27 = arith.constant 0 : index
    %get3A_28 = arith.constant 0 : index
    %get3A_29 = vector.load %arg3[%get3A_25, %get3A_26, %get3A_27, %get3A_28] : memref<1x6x1024x128xf32, #tpu.memory_space<vmem>>, vector<1x1x1024x128xf32>
    %get3A_30 = vector.shape_cast %get3A_29 : vector<1x1x1024x128xf32> to vector<1024x128xf32>
    %get3A_31 = arith.constant 0 : index
    %get3A_32 = arith.constant 3 : index
    %get3A_33 = arith.constant 0 : index
    %get3A_34 = arith.constant 0 : index
    %get3A_35 = vector.load %arg3[%get3A_31, %get3A_32, %get3A_33, %get3A_34] : memref<1x6x1024x128xf32, #tpu.memory_space<vmem>>, vector<1x1x1024x128xf32>
    %get3A_36 = vector.shape_cast %get3A_35 : vector<1x1x1024x128xf32> to vector<1024x128xf32>
    %get3A_37 = arith.constant 0 : index
    %get3A_38 = arith.constant 4 : index
    %get3A_39 = arith.constant 0 : index
    %get3A_40 = arith.constant 0 : index
    %get3A_41 = vector.load %arg3[%get3A_37, %get3A_38, %get3A_39, %get3A_40] : memref<1x6x1024x128xf32, #tpu.memory_space<vmem>>, vector<1x1x1024x128xf32>
    %get3A_42 = vector.shape_cast %get3A_41 : vector<1x1x1024x128xf32> to vector<1024x128xf32>
    %get3A_43 = arith.constant 0 : index
    %get3A_44 = arith.constant 5 : index
    %get3A_45 = arith.constant 0 : index
    %get3A_46 = arith.constant 0 : index
    %get3A_47 = vector.load %arg3[%get3A_43, %get3A_44, %get3A_45, %get3A_46] : memref<1x6x1024x128xf32, #tpu.memory_space<vmem>>, vector<1x1x1024x128xf32>
    %get3A_48 = vector.shape_cast %get3A_47 : vector<1x1x1024x128xf32> to vector<1024x128xf32>
    %concatenate3A = tpu.concatenate %get3A_18, %get3A_24, %get3A_30, %get3A_36, %get3A_42, %get3A_48 in 1 : vector<1024x128xf32>, vector<1024x128xf32>, vector<1024x128xf32>, vector<1024x128xf32>, vector<1024x128xf32>, vector<1024x128xf32> -> vector<1024x768xf32>
    %get3A_49 = arith.constant 0 : index
    %get3A_50 = arith.constant 0 : index
    %get3A_51 = arith.constant 0 : index
    %get3A_52 = arith.constant 0 : index
    %get3A_53 = vector.load %arg2[%get3A_49, %get3A_50, %get3A_51, %get3A_52] : memref<1x6x1024x128xf32, #tpu.memory_space<vmem>>, vector<1x1x1024x128xf32>
    %get3A_54 = vector.shape_cast %get3A_53 : vector<1x1x1024x128xf32> to vector<1024x128xf32>
    %get3A_55 = arith.constant 0 : index
    %get3A_56 = arith.constant 1 : index
    %get3A_57 = arith.constant 0 : index
    %get3A_58 = arith.constant 0 : index
    %get3A_59 = vector.load %arg2[%get3A_55, %get3A_56, %get3A_57, %get3A_58] : memref<1x6x1024x128xf32, #tpu.memory_space<vmem>>, vector<1x1x1024x128xf32>
    %get3A_60 = vector.shape_cast %get3A_59 : vector<1x1x1024x128xf32> to vector<1024x128xf32>
    %get3A_61 = arith.constant 0 : index
    %get3A_62 = arith.constant 2 : index
    %get3A_63 = arith.constant 0 : index
    %get3A_64 = arith.constant 0 : index
    %get3A_65 = vector.load %arg2[%get3A_61, %get3A_62, %get3A_63, %get3A_64] : memref<1x6x1024x128xf32, #tpu.memory_space<vmem>>, vector<1x1x1024x128xf32>
    %get3A_66 = vector.shape_cast %get3A_65 : vector<1x1x1024x128xf32> to vector<1024x128xf32>
    %get3A_67 = arith.constant 0 : index
    %get3A_68 = arith.constant 3 : index
    %get3A_69 = arith.constant 0 : index
    %get3A_70 = arith.constant 0 : index
    %get3A_71 = vector.load %arg2[%get3A_67, %get3A_68, %get3A_69, %get3A_70] : memref<1x6x1024x128xf32, #tpu.memory_space<vmem>>, vector<1x1x1024x128xf32>
    %get3A_72 = vector.shape_cast %get3A_71 : vector<1x1x1024x128xf32> to vector<1024x128xf32>
    %get3A_73 = arith.constant 0 : index
    %get3A_74 = arith.constant 4 : index
    %get3A_75 = arith.constant 0 : index
    %get3A_76 = arith.constant 0 : index
    %get3A_77 = vector.load %arg2[%get3A_73, %get3A_74, %get3A_75, %get3A_76] : memref<1x6x1024x128xf32, #tpu.memory_space<vmem>>, vector<1x1x1024x128xf32>
    %get3A_78 = vector.shape_cast %get3A_77 : vector<1x1x1024x128xf32> to vector<1024x128xf32>
    %get3A_79 = arith.constant 0 : index
    %get3A_80 = arith.constant 5 : index
    %get3A_81 = arith.constant 0 : index
    %get3A_82 = arith.constant 0 : index
    %get3A_83 = vector.load %arg2[%get3A_79, %get3A_80, %get3A_81, %get3A_82] : memref<1x6x1024x128xf32, #tpu.memory_space<vmem>>, vector<1x1x1024x128xf32>
    %get3A_84 = vector.shape_cast %get3A_83 : vector<1x1x1024x128xf32> to vector<1024x128xf32>
    %concatenate3A_85 = tpu.concatenate %get3A_54, %get3A_60, %get3A_66, %get3A_72, %get3A_78, %get3A_84 in 1 : vector<1024x128xf32>, vector<1024x128xf32>, vector<1024x128xf32>, vector<1024x128xf32>, vector<1024x128xf32>, vector<1024x128xf32> -> vector<1024x768xf32>
    %mul3A = arith.mulf %concatenate3A_85, %concatenate3A_85 : vector<1024x768xf32>
    %reduce_sum3A_86 = arith.constant dense<0.000000e+00> : vector<1024xf32>
    %reduce_sum3A_87 = vector.multi_reduction <add>, %mul3A, %reduce_sum3A_86 [1] : vector<1024x768xf32> to vector<1024xf32>
    %broadcast_in_dim3A_88 = vector.shape_cast %reduce_sum3A_87 : vector<1024xf32> to vector<1024x1xf32>
    %sqrt3A = math.sqrt %broadcast_in_dim3A_88 : vector<1024x1xf32>
    %dot_general3A = arith.constant dense<0.000000e+00> : vector<1024x1024xf32>
    %dot_general3A_89 = tpu.matmul %concatenate3A_85, %concatenate3A_85, %dot_general3A {dimension_numbers = #tpu.dot_dimension_numbers<[1], [1], [0], [0], [0, 0, 1, 0], [], []>, transpose_lhs_hint = false} : vector<1024x768xf32>, vector<1024x768xf32>, vector<1024x1024xf32> -> vector<1024x1024xf32>
    %transpose3A = tpu.transpose %sqrt3A, [1, 0] : vector<1024x1xf32> -> vector<1x1024xf32>
    %mul3A_90 = vector.broadcast %sqrt3A : vector<1024x1xf32> to vector<1024x1024xf32>
    %mul3A_91 = vector.broadcast %transpose3A : vector<1x1024xf32> to vector<1024x1024xf32>
    %mul3A_92 = arith.mulf %mul3A_90, %mul3A_91 : vector<1024x1024xf32>
    %max3A = arith.constant 9.99999993E-9 : f32
    %max3A_93 = vector.broadcast %max3A : f32 to vector<1024x1024xf32>
    %max3A_94 = arith.maximumf %mul3A_92, %max3A_93 : vector<1024x1024xf32>
    %div3A = arith.divf %dot_general3A_89, %max3A_94 : vector<1024x1024xf32>
    %iota3A_95 = tpu.iota {dimensions = array<i32: 1>} : vector<1x1024xi32>
    %convert_element_type3A = arith.sitofp %iota3A_95 : vector<1x1024xi32> to vector<1x1024xf32>
    %gt3A = arith.constant 0.000000e+00 : f32
    %gt3A_96 = vector.broadcast %gt3A : f32 to vector<1x1024xf32>
    %gt3A_97 = arith.cmpf ogt, %select_n3A, %gt3A_96 : vector<1x1024xf32>
    %lt3A = vector.broadcast %min3A_12 : vector<1x1xf32> to vector<1x1024xf32>
    %lt3A_98 = arith.cmpf olt, %convert_element_type3A, %lt3A : vector<1x1024xf32>
    %and3A = arith.andi %gt3A_97, %lt3A_98 : vector<1x1024xi1>
    %lt3A_99 = arith.constant 1.000000e+03 : f32
    %lt3A_100 = vector.broadcast %lt3A_99 : f32 to vector<1x1024xf32>
    %lt3A_101 = arith.cmpf olt, %convert_element_type3A, %lt3A_100 : vector<1x1024xf32>
    %and3A_102 = arith.andi %and3A, %lt3A_101 : vector<1x1024xi1>
    %jit3A_103 = arith.constant 1.000000e+00 : f32
    %jit3A_104 = arith.constant 0.000000e+00 : f32
    %broadcast_in_dim3A_105 = vector.broadcast %jit3A_103 : f32 to vector<1x1024xf32>
    %broadcast_in_dim3A_106 = vector.broadcast %jit3A_104 : f32 to vector<1x1024xf32>
    %select_n3A_107 = arith.select %and3A_102, %broadcast_in_dim3A_105, %broadcast_in_dim3A_106 : vector<1x1024xi1>, vector<1x1024xf32>
    %reduce_sum3A_108 = vector.shape_cast %select_n3A_107 : vector<1x1024xf32> to vector<1x1x1024xf32>
    %reduce_sum3A_109 = arith.constant dense<0.000000e+00> : vector<1xf32>
    %reduce_sum3A_110 = vector.multi_reduction <add>, %reduce_sum3A_108, %reduce_sum3A_109 [1, 2] : vector<1x1x1024xf32> to vector<1xf32>
    %reduce_sum3A_111 = vector.shape_cast %reduce_sum3A_110 : vector<1xf32> to vector<1x1x1xf32>
    %reduce_sum3A_112 = vector.extract %reduce_sum3A_111[0, 0, 0] : f32 from vector<1x1x1xf32>
    %broadcast_in_dim3A_113 = vector.broadcast %reduce_sum3A_112 : f32 to vector<1x1xf32>
    %jit3A_114 = arith.constant -1.000000e+30 : f32
    %broadcast_in_dim3A_115 = vector.shape_cast %and3A_102 : vector<1x1024xi1> to vector<1x1024xi1>
    %broadcast_in_dim3A_116 = vector.broadcast %broadcast_in_dim3A_115 : vector<1x1024xi1> to vector<1024x1024xi1>
    %broadcast_in_dim3A_117 = vector.broadcast %jit3A_114 : f32 to vector<1024x1024xf32>
    %select_n3A_118 = arith.select %broadcast_in_dim3A_116, %div3A, %broadcast_in_dim3A_117 : vector<1024x1024xi1>, vector<1024x1024xf32>
    %reduce_max3A = arith.constant dense<0xFF800000> : vector<1024xf32>
    %reduce_max3A_119 = vector.multi_reduction <maximumf>, %select_n3A_118, %reduce_max3A [1] : vector<1024x1024xf32> to vector<1024xf32>
    %broadcast_in_dim3A_120 = vector.shape_cast %reduce_max3A_119 : vector<1024xf32> to vector<1024x1xf32>
    %eq3A_121 = vector.broadcast %broadcast_in_dim3A_120 : vector<1024x1xf32> to vector<1024x1024xf32>
    %eq3A_122 = arith.cmpf oeq, %select_n3A_118, %eq3A_121 : vector<1024x1024xf32>
    %jit3A_123 = arith.constant 1024 : i32
    %broadcast_in_dim3A_124 = vector.broadcast %jit3A_123 : i32 to vector<1024x1024xi32>
    %select_n3A_125 = arith.select %eq3A_122, %iota3A, %broadcast_in_dim3A_124 : vector<1024x1024xi1>, vector<1024x1024xi32>
    %reduce_min3A = arith.constant dense<2147483647> : vector<1024xi32>
    %reduce_min3A_126 = vector.multi_reduction <minsi>, %select_n3A_125, %reduce_min3A [1] : vector<1024x1024xi32> to vector<1024xi32>
    %broadcast_in_dim3A_127 = vector.shape_cast %reduce_min3A_126 : vector<1024xi32> to vector<1024x1xi32>
    %eq3A_128 = vector.broadcast %broadcast_in_dim3A_127 : vector<1024x1xi32> to vector<1024x1024xi32>
    %eq3A_129 = arith.cmpi eq, %iota3A, %eq3A_128 : vector<1024x1024xi32>
    %jit3A_130 = arith.constant -1.000000e+30 : f32
    %broadcast_in_dim3A_131 = vector.broadcast %jit3A_130 : f32 to vector<1024x1024xf32>
    %select_n3A_132 = arith.select %eq3A_129, %broadcast_in_dim3A_131, %select_n3A_118 : vector<1024x1024xi1>, vector<1024x1024xf32>
    %reduce_max3A_133 = arith.constant dense<0xFF800000> : vector<1024xf32>
    %reduce_max3A_134 = vector.multi_reduction <maximumf>, %select_n3A_132, %reduce_max3A_133 [1] : vector<1024x1024xf32> to vector<1024xf32>
    %broadcast_in_dim3A_135 = vector.shape_cast %reduce_max3A_134 : vector<1024xf32> to vector<1024x1xf32>
    %eq3A_136 = vector.broadcast %broadcast_in_dim3A_135 : vector<1024x1xf32> to vector<1024x1024xf32>
    %eq3A_137 = arith.cmpf oeq, %select_n3A_132, %eq3A_136 : vector<1024x1024xf32>
    %jit3A_138 = arith.constant 1024 : i32
    %broadcast_in_dim3A_139 = vector.broadcast %jit3A_138 : i32 to vector<1024x1024xi32>
    %select_n3A_140 = arith.select %eq3A_137, %iota3A, %broadcast_in_dim3A_139 : vector<1024x1024xi1>, vector<1024x1024xi32>
    %reduce_min3A_141 = arith.constant dense<2147483647> : vector<1024xi32>
    %reduce_min3A_142 = vector.multi_reduction <minsi>, %select_n3A_140, %reduce_min3A_141 [1] : vector<1024x1024xi32> to vector<1024xi32>
    %broadcast_in_dim3A_143 = vector.shape_cast %reduce_min3A_142 : vector<1024xi32> to vector<1024x1xi32>
    %eq3A_144 = vector.broadcast %broadcast_in_dim3A_143 : vector<1024x1xi32> to vector<1024x1024xi32>
    %eq3A_145 = arith.cmpi eq, %iota3A, %eq3A_144 : vector<1024x1024xi32>
    %jit3A_146 = arith.constant -1.000000e+30 : f32
    %broadcast_in_dim3A_147 = vector.broadcast %jit3A_146 : f32 to vector<1024x1024xf32>
    %select_n3A_148 = arith.select %eq3A_145, %broadcast_in_dim3A_147, %select_n3A_132 : vector<1024x1024xi1>, vector<1024x1024xf32>
    %reduce_max3A_149 = arith.constant dense<0xFF800000> : vector<1024xf32>
    %reduce_max3A_150 = vector.multi_reduction <maximumf>, %select_n3A_148, %reduce_max3A_149 [1] : vector<1024x1024xf32> to vector<1024xf32>
    %broadcast_in_dim3A_151 = vector.shape_cast %reduce_max3A_150 : vector<1024xf32> to vector<1024x1xf32>
    %eq3A_152 = vector.broadcast %broadcast_in_dim3A_151 : vector<1024x1xf32> to vector<1024x1024xf32>
    %eq3A_153 = arith.cmpf oeq, %select_n3A_148, %eq3A_152 : vector<1024x1024xf32>
    %jit3A_154 = arith.constant 1024 : i32
    %broadcast_in_dim3A_155 = vector.broadcast %jit3A_154 : i32 to vector<1024x1024xi32>
    %select_n3A_156 = arith.select %eq3A_153, %iota3A, %broadcast_in_dim3A_155 : vector<1024x1024xi1>, vector<1024x1024xi32>
    %reduce_min3A_157 = arith.constant dense<2147483647> : vector<1024xi32>
    %reduce_min3A_158 = vector.multi_reduction <minsi>, %select_n3A_156, %reduce_min3A_157 [1] : vector<1024x1024xi32> to vector<1024xi32>
    %broadcast_in_dim3A_159 = vector.shape_cast %reduce_min3A_158 : vector<1024xi32> to vector<1024x1xi32>
    %sub3A = arith.subf %broadcast_in_dim3A_135, %broadcast_in_dim3A_120 : vector<1024x1xf32>
    %exp3A = math.exp %sub3A : vector<1024x1xf32>
    %sub3A_160 = arith.subf %broadcast_in_dim3A_151, %broadcast_in_dim3A_120 : vector<1024x1xf32>
    %exp3A_161 = math.exp %sub3A_160 : vector<1024x1xf32>
    %add3A_162 = arith.constant 1.000000e+00 : f32
    %add3A_163 = vector.broadcast %add3A_162 : f32 to vector<1024x1xf32>
    %add3A_164 = arith.addf %add3A_163, %exp3A : vector<1024x1xf32>
    %add3A_165 = arith.addf %add3A_164, %exp3A_161 : vector<1024x1xf32>
    %div3A_166 = arith.constant 1.000000e+00 : f32
    %div3A_167 = vector.broadcast %div3A_166 : f32 to vector<1024x1xf32>
    %div3A_168 = arith.divf %div3A_167, %add3A_165 : vector<1024x1xf32>
    %div3A_169 = arith.divf %exp3A, %add3A_165 : vector<1024x1xf32>
    %div3A_170 = arith.divf %exp3A_161, %add3A_165 : vector<1024x1xf32>
    %eq3A_171 = vector.broadcast %broadcast_in_dim3A_127 : vector<1024x1xi32> to vector<1024x1024xi32>
    %eq3A_172 = arith.cmpi eq, %iota3A, %eq3A_171 : vector<1024x1024xi32>
    %jit3A_173 = arith.constant 0.000000e+00 : f32
    %broadcast_in_dim3A_174 = vector.shape_cast %div3A_168 : vector<1024x1xf32> to vector<1024x1xf32>
    %broadcast_in_dim3A_175 = vector.broadcast %broadcast_in_dim3A_174 : vector<1024x1xf32> to vector<1024x1024xf32>
    %broadcast_in_dim3A_176 = vector.broadcast %jit3A_173 : f32 to vector<1024x1024xf32>
    %select_n3A_177 = arith.select %eq3A_172, %broadcast_in_dim3A_175, %broadcast_in_dim3A_176 : vector<1024x1024xi1>, vector<1024x1024xf32>
    %eq3A_178 = vector.broadcast %broadcast_in_dim3A_143 : vector<1024x1xi32> to vector<1024x1024xi32>
    %eq3A_179 = arith.cmpi eq, %iota3A, %eq3A_178 : vector<1024x1024xi32>
    %jit3A_180 = arith.constant 0.000000e+00 : f32
    %broadcast_in_dim3A_181 = vector.shape_cast %div3A_169 : vector<1024x1xf32> to vector<1024x1xf32>
    %broadcast_in_dim3A_182 = vector.broadcast %broadcast_in_dim3A_181 : vector<1024x1xf32> to vector<1024x1024xf32>
    %broadcast_in_dim3A_183 = vector.broadcast %jit3A_180 : f32 to vector<1024x1024xf32>
    %select_n3A_184 = arith.select %eq3A_179, %broadcast_in_dim3A_182, %broadcast_in_dim3A_183 : vector<1024x1024xi1>, vector<1024x1024xf32>
    %add3A_185 = arith.addf %select_n3A_177, %select_n3A_184 : vector<1024x1024xf32>
    %eq3A_186 = vector.broadcast %broadcast_in_dim3A_159 : vector<1024x1xi32> to vector<1024x1024xi32>
    %eq3A_187 = arith.cmpi eq, %iota3A, %eq3A_186 : vector<1024x1024xi32>
    %jit3A_188 = arith.constant 0.000000e+00 : f32
    %broadcast_in_dim3A_189 = vector.shape_cast %div3A_170 : vector<1024x1xf32> to vector<1024x1xf32>
    %broadcast_in_dim3A_190 = vector.broadcast %broadcast_in_dim3A_189 : vector<1024x1xf32> to vector<1024x1024xf32>
    %broadcast_in_dim3A_191 = vector.broadcast %jit3A_188 : f32 to vector<1024x1024xf32>
    %select_n3A_192 = arith.select %eq3A_187, %broadcast_in_dim3A_190, %broadcast_in_dim3A_191 : vector<1024x1024xi1>, vector<1024x1024xf32>
    %add3A_193 = arith.addf %add3A_185, %select_n3A_192 : vector<1024x1024xf32>
    %dot_general3A_194 = arith.constant dense<0.000000e+00> : vector<1024x768xf32>
    %dot_general3A_195 = tpu.matmul %add3A_193, %concatenate3A_85, %dot_general3A_194 {dimension_numbers = #tpu.dot_dimension_numbers<[1], [0], [0], [1], [0, 0, 1, 1], [], []>, transpose_lhs_hint = false} : vector<1024x1024xf32>, vector<1024x768xf32>, vector<1024x768xf32> -> vector<1024x768xf32>
    %iota3A_196 = tpu.iota {dimensions = array<i32: 0>} : vector<1024x1xi32>
    %convert_element_type3A_197 = arith.sitofp %iota3A_196 : vector<1024x1xi32> to vector<1024x1xf32>
    %lt3A_198 = vector.broadcast %min3A_12 : vector<1x1xf32> to vector<1024x1xf32>
    %lt3A_199 = arith.cmpf olt, %convert_element_type3A_197, %lt3A_198 : vector<1024x1xf32>
    %gt3A_200 = arith.constant 0.000000e+00 : f32
    %gt3A_201 = vector.broadcast %gt3A_200 : f32 to vector<1x1xf32>
    %gt3A_202 = arith.cmpf ogt, %broadcast_in_dim3A_113, %gt3A_201 : vector<1x1xf32>
    %and3A_203 = vector.broadcast %gt3A_202 : vector<1x1xi1> to vector<1024x1xi1>
    %and3A_204 = arith.andi %lt3A_199, %and3A_203 : vector<1024x1xi1>
    %transpose3A_205 = tpu.transpose %eq3A_3, [1, 0] : vector<1x1024xi1> -> vector<1024x1xi1>
    %jit3A_206 = arith.constant 0.000000e+00 : f32
    %broadcast_in_dim3A_207 = vector.shape_cast %and3A_204 : vector<1024x1xi1> to vector<1024x1xi1>
    %broadcast_in_dim3A_208 = vector.broadcast %broadcast_in_dim3A_207 : vector<1024x1xi1> to vector<1024x768xi1>
    %broadcast_in_dim3A_209 = vector.broadcast %jit3A_206 : f32 to vector<1024x768xf32>
    %select_n3A_210 = arith.select %broadcast_in_dim3A_208, %dot_general3A_195, %broadcast_in_dim3A_209 : vector<1024x768xi1>, vector<1024x768xf32>
    %broadcast_in_dim3A_211 = vector.shape_cast %transpose3A_205 : vector<1024x1xi1> to vector<1024x1xi1>
    %broadcast_in_dim3A_212 = vector.broadcast %broadcast_in_dim3A_211 : vector<1024x1xi1> to vector<1024x768xi1>
    %select_n3A_213 = arith.select %broadcast_in_dim3A_212, %select_n3A_210, %concatenate3A : vector<1024x768xi1>, vector<1024x768xf32>
    %get3A_214 = arith.constant 0 : index
    %get3A_215 = arith.constant 0 : index
    %get3A_216 = vector.load %arg4[%get3A_214, %get3A_215] : memref<768x768xf32, #tpu.memory_space<vmem>>, vector<768x768xf32>
    %dot_general3A_217 = arith.constant dense<0.000000e+00> : vector<1024x768xf32>
    %dot_general3A_218 = tpu.matmul %select_n3A_213, %get3A_216, %dot_general3A_217 {dimension_numbers = #tpu.dot_dimension_numbers<[1], [0], [0], [1], [0, 0, 1, 1], [], []>, transpose_lhs_hint = false} : vector<1024x768xf32>, vector<768x768xf32>, vector<1024x768xf32> -> vector<1024x768xf32>
    %eq3A_219 = arith.constant 0 : i32
    %eq3A_220 = arith.cmpi eq, %arg0, %eq3A_219 : i32
    %convert_element_type3A_221 = arith.extui %eq3A_220 : i1 to i32
    %cond3A = arith.constant 0 : i32
    %cond3A_222 = arith.cmpi ne, %convert_element_type3A_221, %cond3A : i32
    scf.if %cond3A_222 {
      %swap3A = arith.constant 0 : index
      %swap3A_233 = arith.constant 0 : index
      %swap3A_234 = vector.load %arg9[%swap3A, %swap3A_233] : memref<1024x768xf32, #tpu.memory_space<vmem>>, vector<1024x768xf32>
      tpu.vector_store %arg9[%swap3A, %swap3A_233], %dot_general3A_218 {strides = array<i32>} : memref<1024x768xf32, #tpu.memory_space<vmem>>, vector<1024x768xf32>,
    } else {
    }
    %gt3A_223 = arith.constant 0 : i32
    %gt3A_224 = arith.cmpi sgt, %arg0, %gt3A_223 : i32
    %convert_element_type3A_225 = arith.extui %gt3A_224 : i1 to i32
    %cond3A_226 = arith.constant 0 : i32
    %cond3A_227 = arith.cmpi ne, %convert_element_type3A_225, %cond3A_226 : i32
    scf.if %cond3A_227 {
      %get3A_233 = arith.constant 0 : index
      %get3A_234 = arith.constant 0 : index
      %get3A_235 = vector.load %arg9[%get3A_233, %get3A_234] : memref<1024x768xf32, #tpu.memory_space<vmem>>, vector<1024x768xf32>
      %add3A_236 = arith.addf %get3A_235, %dot_general3A_218 : vector<1024x768xf32>
      %swap3A = arith.constant 0 : index
      %swap3A_237 = arith.constant 0 : index
      %swap3A_238 = vector.load %arg9[%swap3A, %swap3A_237] : memref<1024x768xf32, #tpu.memory_space<vmem>>, vector<1024x768xf32>
      tpu.vector_store %arg9[%swap3A, %swap3A_237], %add3A_236 {strides = array<i32>} : memref<1024x768xf32, #tpu.memory_space<vmem>>, vector<1024x768xf32>,
    } else {
    }
    %eq3A_228 = arith.constant 2 : i32
    %eq3A_229 = arith.cmpi eq, %arg0, %eq3A_228 : i32
    %convert_element_type3A_230 = arith.extui %eq3A_229 : i1 to i32
    %cond3A_231 = arith.constant 0 : i32
    %cond3A_232 = arith.cmpi ne, %convert_element_type3A_230, %cond3A_231 : i32
    scf.if %cond3A_232 {
      %get3A_233 = arith.constant 0 : index
      %get3A_234 = arith.constant 0 : index
      %get3A_235 = vector.load %arg9[%get3A_233, %get3A_234] : memref<1024x768xf32, #tpu.memory_space<vmem>>, vector<1024x768xf32>
      %get3A_236 = arith.constant 0 : index
      %get3A_237 = arith.constant 0 : index
      %get3A_238 = vector.load %arg5[%get3A_236, %get3A_237] : memref<1x768xf32, #tpu.memory_space<vmem>>, vector<1x768xf32>
      %add3A_239 = vector.broadcast %get3A_238 : vector<1x768xf32> to vector<1024x768xf32>
      %add3A_240 = arith.addf %get3A_235, %add3A_239 : vector<1024x768xf32>
      %max3A_241 = arith.constant 0.000000e+00 : f32
      %max3A_242 = vector.broadcast %max3A_241 : f32 to vector<1024x768xf32>
      %max3A_243 = arith.maximumf %add3A_240, %max3A_242 : vector<1024x768xf32>
      %get3A_244 = arith.constant 0 : index
      %get3A_245 = arith.constant 0 : index
      %get3A_246 = vector.load %arg6[%get3A_244, %get3A_245] : memref<768x1xf32, #tpu.memory_space<vmem>>, vector<768x1xf32>
      %dot_general3A_247 = arith.constant dense<0.000000e+00> : vector<1024x1xf32>
      %dot_general3A_248 = tpu.matmul %max3A_243, %get3A_246, %dot_general3A_247 {dimension_numbers = #tpu.dot_dimension_numbers<[1], [0], [0], [1], [0, 0, 1, 1], [], []>, transpose_lhs_hint = false} : vector<1024x768xf32>, vector<768x1xf32>, vector<1024x1xf32> -> vector<1024x1xf32>
      %get3A_249 = arith.constant 0 : index
      %get3A_250 = arith.constant 0 : index
      %get3A_251 = vector.load %arg7[%get3A_249, %get3A_250] : memref<1x1xf32, #tpu.memory_space<vmem>>, vector<1x1xf32>
      %add3A_252 = vector.broadcast %get3A_251 : vector<1x1xf32> to vector<1024x1xf32>
      %add3A_253 = arith.addf %dot_general3A_248, %add3A_252 : vector<1024x1xf32>
      %swap3A = arith.constant 0 : index
      %swap3A_254 = arith.constant 0 : index
      %swap3A_255 = vector.load %arg8[%swap3A, %swap3A_254] : memref<1024x1xf32, #tpu.memory_space<vmem>>, vector<1024x1xf32>
      tpu.vector_store %arg8[%swap3A, %swap3A_254], %add3A_253 {strides = array<i32>} : memref<1024x1xf32, #tpu.memory_space<vmem>>, vector<1024x1xf32>,
    } else {
    }
    return
  }
  func.func @transform_0(%arg0: i32) -> (i32, i32) {
    %c0_i32 = arith.constant 0 : i32
    %c0_i32_0 = arith.constant 0 : i32
    %c0_i32_1 = arith.constant 0 : i32
    return %c0_i32, %c0_i32_0 : i32, i32
  }
  func.func @transform_1(%arg0: i32) -> (i32, i32, i32, i32) {
    %c0_i32 = arith.constant 0 : i32
    %c0_i32_0 = arith.constant 0 : i32
    %c0_i32_1 = arith.constant 0 : i32
    %c0_i32_2 = arith.constant 0 : i32
    return %arg0, %c0_i32, %c0_i32_0, %c0_i32_1 : i32, i32, i32, i32
  }
  func.func @transform_2(%arg0: i32) -> (i32, i32, i32, i32) {
    %c0_i32 = arith.constant 0 : i32
    %c0_i32_0 = arith.constant 0 : i32
    %c0_i32_1 = arith.constant 0 : i32
    %c0_i32_2 = arith.constant 0 : i32
    return %arg0, %c0_i32, %c0_i32_0, %c0_i32_1 : i32, i32, i32, i32
  }
  func.func @transform_3(%arg0: i32) -> (i32, i32) {
    %c0_i32 = arith.constant 0 : i32
    %c0_i32_0 = arith.constant 0 : i32
    return %arg0, %c0_i32 : i32, i32
  }
  func.func @transform_4(%arg0: i32) -> (i32, i32) {
    %c0_i32 = arith.constant 0 : i32
    %c0_i32_0 = arith.constant 0 : i32
    %c0_i32_1 = arith.constant 0 : i32
    return %c0_i32, %c0_i32_0 : i32, i32
  }
  func.func @transform_5(%arg0: i32) -> (i32, i32) {
    %c0_i32 = arith.constant 0 : i32
    %c0_i32_0 = arith.constant 0 : i32
    %c0_i32_1 = arith.constant 0 : i32
    return %c0_i32, %c0_i32_0 : i32, i32
  }
  func.func @transform_6(%arg0: i32) -> (i32, i32) {
    %c0_i32 = arith.constant 0 : i32
    %c0_i32_0 = arith.constant 0 : i32
    %c0_i32_1 = arith.constant 0 : i32
    return %c0_i32, %c0_i32_0 : i32, i32
  }
  func.func @transform_7(%arg0: i32) -> (i32, i32) {
    %c0_i32 = arith.constant 0 : i32
    %c0_i32_0 = arith.constant 0 : i32
    %c0_i32_1 = arith.constant 0 : i32
    return %c0_i32, %c0_i32_0 : i32, i32
  }
}

</mosaic_0001>

<sc_bundles>
// kernel: kernel.5.cloned.1.call-start
scs
__scs_entry_jumppad:
0x0: {  	(pc) =	sbr.rel $0x88, $3  }
0x1: {  	(tag) =	ssettag $0x0;
	lr =	simm.s32 $0x1  }
0x2: {  	[smem:$0x3F93] =	sst lr;
	_ =	strace $0xD0000000  }
0x3: {  	_ = 	snop  }
0x4: {  	_ = 	snop  }
0x5: {  	_ = 	snop  }
0x6: {  	_ = 	snop  }
0x7: {  	_ = 	snop  }
__scs_overlays_trampoline_lowered:
0x8: {  	[smem:$0x3FA2] =	sst s0  }
0x9: {  	[smem:$0x3FA3] =	sst s1  }
0xa: {  	[smem:$0x3FA4] =	sst s2  }
0xb: {  	[smem:$0x3FA5] =	sst s3  }
0xc: {  	[smem:$0x3FA6] =	sst s4  }
0xd: {  	[smem:$0x3FA7] =	sst s5  }
0xe: {  	[smem:$0x3FA8] =	sst s6  }
0xf: {  	[smem:$0x3FA9] =	sst s7  }
0x10: {  	[smem:$0x3FAA] =	sst s8  }
0x11: {  	[smem:$0x3FAB] =	sst s9;
	s0 =	simm.s32 @!p0 $0x0  }
0x12: {  	s1 =	sld [smem:$0x3F91];
	s0 =	simm.s32 @p0 $0x1  }
0x13: {  	[smem:$0x3FAC] =	sst s0;
	s0 =	simm.s32 @!p1 $0x0  }
0x14: {  	s2 =	sld [smem:$0x3F90];
	s0 =	simm.s32 @p1 $0x1  }
0x15: {  	[smem:$0x3FAD] =	sst s0;
	s0 =	simm.s32 @!p2 $0x0  }
0x16: {  	s3 =	sld [smem:$0x3FDB];
	s0 =	simm.s32 @p2 $0x1  }
0x17: {  	s4 =	simm.s32 $0x1BF5;
	[smem:$0x3FAF] =	sst s0  }
0x18: {  	s0 =	sld [smem:$0x3F92];
	_ =	swait.ge [sflag:s4], $0x0  }
0x19: {  	s7 =	sld [smem:$0x3F93]  }
0x1a: {  	s8 =	sadd.s32 $0xFFFFE003, lr  }
0x1b: {  	s9 =	sadd.s32 $0xFFFFFEF7, lr;
	s5 =	simm.s32 $0xFFFFFFFF;
	p2 =	slt.u32 s8, $0xFFFFF086  }
0x1c: {  	p1 =	slt.u32 s9, $0xF7A;
	s5 =	simm.s32 @!p2 $0x0  }
0x1d: {  	s5 =	simm.s32 @p1 $0x1;
	p0 =	seq.s32 s7, s2  }
0x1e: {  	s7 =	smul.u32 @!p0 $0xF7A, s2;
	p2 =	seq.s32 @!p0 s5, $0x0  }
0x1f: {  	s9 =	smul.u32 $0xF7A, s1;
	s8 =	simm.s32 @!p0 $0x1BF5;
	p2 =	por !p2, p0  }
0x20: {  	[sflag:s8] =	ssyncset.s32 @!p0 $0xFFFFF086;
	s6 =	sadd.s32 @!p0 s3, s7;
	s7 =	simm.s32 @!p0 $0x108  }
0x21: {  	s3 =	sadd.s32 s3, s9;
	s6 =	sadd.s32 @!p0 $0x88, s6;
	s7 =	simm.s32 @p2 $0x1082  }
0x22: {  	[simem:s7], [sflag:s8] =	dma.local @!p0 [hbm:s6], $0xF7A  }
0x23: {  	s9 =	sor.u32 $0xD0000000, s2;
	s6 =	simm.s32 $0x108;
	_ =	swait.ge @!p0 [sflag:s8], $0x0  }
0x24: {  	s3 =	sadd.s32 $0x88, s3;
	s6 =	simm.s32 @!p1 $0x1082;
	[sflag:s4] =	ssyncset.s32 $0xFFFFF086  }
0x25: {  	[simem:s6], [sflag:s4] =	dma.local [hbm:s3], $0xF7A  }
0x26: {  	[smem:$0x3F93] =	sst s1;
	(tag) =	ssettag s2;
	_ =	strace s9  }
0x27: {  	s1 =	sld [smem:$0x3FA3]  }
0x28: {  	s2 =	sld [smem:$0x3FA4]  }
0x29: {  	s4 =	sld [smem:$0x3FA6]  }
0x2a: {  	p0 =	seq.s32 s5, $0x0;
	s5 =	sld [smem:$0x3FA7]  }
0x2b: {  	s6 =	sld [smem:$0x3FA8]  }
0x2c: {  	s7 =	sld [smem:$0x3FA9]  }
0x2d: {  	s3 =	simm.s32 $0x108;
	s8 =	sld [smem:$0x3FAA]  }
0x2e: {  	s3 =	simm.s32 @!p0 $0x1082;
	s9 =	sld [smem:$0x3FAB]  }
0x2f: {  	lr =	sadd.s32 s0, s3;
	s0 =	sld [smem:$0x3FA2]  }
0x30: {  	s3 =	sld [smem:$0x3FA5]  }
0x31: {  	[smem:$0x3FAE] =	sst s10  }
0x32: {  	s10 =	sld [smem:$0x3FAC];
	_ =	sdelay $0x3  }
0x33: {  	p0 =	seq.s32 s10, $0x1;
	s10 =	sld [smem:$0x3FAE];
	_ =	sdelay $0x3  }
0x34: {  	[smem:$0x3FAE] =	sst s10  }
0x35: {  	s10 =	sld [smem:$0x3FAD];
	_ =	sdelay $0x3  }
0x36: {  	p1 =	seq.s32 s10, $0x1;
	s10 =	sld [smem:$0x3FAE];
	_ =	sdelay $0x3  }
0x37: {  	[smem:$0x3FAE] =	sst s10  }
0x38: {  	s10 =	sld [smem:$0x3FAF]  }
0x39: {  	_ = 	snop;
	(pc) =	sbr.ind lr, $3  }
0x3a: {  	_ = 	snop  }
0x3b: {  	_ = 	snop  }
0x3c: {  	p2 =	seq.s32 s10, $0x1;
	s10 =	sld [smem:$0x3FAE]  }
0x3d: {  	_ =	shalt  }
0x3e: {  	_ =	shalt  }
0x3f: {  	_ =	shalt  }
0x40: {  	_ =	shalt  }
0x41: {  	_ =	shalt  }
0x42: {  	_ =	shalt  }
0x43: {  	_ =	shalt  }
0x44: {  	_ =	shalt  }
0x45: {  	_ =	shalt  }
0x46: {  	_ =	shalt  }
0x47: {  	_ =	shalt  }
0x48: {  	_ =	shalt  }
0x49: {  	_ =	shalt  }
0x4a: {  	_ =	shalt  }
0x4b: {  	_ =	shalt  }
0x4c: {  	_ =	shalt  }
0x4d: {  	_ =	shalt  }
0x4e: {  	_ =	shalt  }
0x4f: {  	_ =	shalt  }
0x50: {  	_ =	shalt  }
0x51: {  	_ =	shalt  }
0x52: {  	_ =	shalt  }
0x53: {  	_ =	shalt  }
0x54: {  	_ =	shalt  }
0x55: {  	_ =	shalt  }
0x56: {  	_ =	shalt  }
0x57: {  	_ =	shalt  }
0x58: {  	_ =	shalt  }
0x59: {  	_ =	shalt  }
0x5a: {  	_ =	shalt  }
0x5b: {  	_ =	shalt  }
0x5c: {  	_ =	shalt  }
0x5d: {  	_ =	shalt  }
0x5e: {  	_ =	shalt  }
0x5f: {  	_ =	shalt  }
0x60: {  	_ =	shalt  }
0x61: {  	_ =	shalt  }
0x62: {  	_ =	shalt  }
0x63: {  	_ =	shalt  }
0x64: {  	_ =	shalt  }
0x65: {  	_ =	shalt  }
0x66: {  	_ =	shalt  }
0x67: {  	_ =	shalt  }
0x68: {  	_ =	shalt  }
0x69: {  	_ =	shalt  }
0x6a: {  	_ =	shalt  }
0x6b: {  	_ =	shalt  }
0x6c: {  	_ =	shalt  }
0x6d: {  	_ =	shalt  }
0x6e: {  	_ =	shalt  }
0x6f: {  	_ =	shalt  }
0x70: {  	_ =	shalt  }
0x71: {  	_ =	shalt  }
0x72: {  	_ =	shalt  }
0x73: {  	_ =	shalt  }
0x74: {  	_ =	shalt  }
0x75: {  	_ =	shalt  }
0x76: {  	_ =	shalt  }
0x77: {  	_ =	shalt  }
0x78: {  	_ =	shalt  }
0x79: {  	_ =	shalt  }
0x7a: {  	_ =	shalt  }
0x7b: {  	_ =	shalt  }
0x7c: {  	_ =	shalt  }
0x7d: {  	_ =	shalt  }
0x7e: {  	_ =	shalt  }
0x7f: {  	_ =	shalt  }
0x80: {  	_ =	shalt  }
0x81: {  	_ =	shalt  }
0x82: {  	_ =	shalt  }
0x83: {  	_ =	shalt  }
0x84: {  	_ =	shalt  }
0x85: {  	_ =	shalt  }
0x86: {  	_ =	shalt  }
0x87: {  	_ =	shalt  }
.Lfunc_end0:
.L_simem_size_0:
called_computation_lowered:
.L_overlay_start_0:
0x88: {  	s2 =	sld [smem:$0x3FD9]  }
0x89: {  	s3 =	sld [smem:$0x3FFE];
	_ =	sdelay $0x1  }
0x8a: {  	s1 =	srdreg.scid  }
0x8b: {  	s0 =	sand.u32 $0x1, s1  }
0x8c: {  	s16 =	sshll.u32 s0, $0xA;
	s2 =	sadd.s32 s3, s2  }
0x8d: {  	s2 =	sadd.s32 s2, s16  }
0x8e: {  	[smem:$0x3FBA] =	sst s2  }
0x8f: {  	_ = 	snop  }
0x90: {  	(tm) =	ssettm $0x1  }
0x91: {  	s17 =	sld [smem:$0x3FFB];
	_ =	sdelay $0x3  }
0x92: {  	_ =	strace s17  }
0x93: {  	s2 =	sld [smem:$0x3FFC];
	_ =	sdelay $0x3  }
0x94: {  	_ =	strace s2  }
0x95: {  	s2 =	sld [smem:$0x3FFD];
	_ =	sdelay $0x3  }
0x96: {  	_ =	strace s2  }
0x97: {  	_ =	strace $0x8FFFFFFF  }
0x98: {  	s18 =	sld [smem:$0x3FDB];
	_ =	sdelay $0x1  }
0x99: {  	s19 =	simm.s32 $_scs_section_size  }
0x9a: {  	s4 =	simm.s32 $_size__tile_overlayer_lowered;
	s5 =	simm.s32 $_tile_overlayer_lowered  }
0x9b: {  	s22 =	simm.s32 $0x1BFF;
	s21 =	sshll.u32 s5, $0x1;
	s2 =	sadd.s32 s19, s18  }
0x9c: {  	s6 =	simm.s32 $0x0;
	s20 =	sshll.u32 s4, $0x1;
	s4 =	sadd.s32 s21, s2  }
0x9d: {  	[timem:s6], [sflag:s22] =	dma.local [hbm:s4], s20  }
0x9e: {  	_ =	swait.ge [sflag:s22], s20  }
0x9f: {  	s3 =	ssub.s32 $0x0, s20;
	[sflag:s22] =	ssyncset.done $0x0  }
0xa0: {  	[sflag:s22] =	ssyncadd.s32 s3;
	_ =	sdelay $0x1  }
0xa1: {  	s23 =	simm.s32 $0x1B8B  }
0xa2: {  	_ =	swait.ge [sflag:s23], $0x1  }
0xa3: {  	[sflag:s23] =	ssyncset.done $0x0  }
0xa4: {  	s25 =	simm.s32 $0x1B8E;
	s24 =	sld [smem:$0x3FFE];
	[sflag:s23] =	ssyncadd.s32 $0xFFFFFFFF  }
0xa5: {  	s26 =	simm.s32 $execute0_lowered;
	[smem:$0x3FD2] =	sst s25  }
0xa6: {  	s4 =	sshll.u32 s26, $0x1;
	_ =	strace $0x80000046;
	[dreg:$0x1] =	wrdreg $0xFFFFFFFF  }
0xa7: {  	s28 =	simm.s32 $_size_execute0_lowered;
	s2 =	sadd.s32 s2, s4;
	[dreg:$0x0] =	wrdreg $0x0  }
0xa8: {  	s4 =	sshll.u32 s28, $0x1;
	[dreg:$0x2] =	wrdreg s2  }
0xa9: {  	[dreg:$0x3] =	wrdreg s4  }
0xaa: {  	[dreg:$0x4] =	wrdreg $0xC0  }
0xab: {  	_ =	task [dreg:s6], $0x5FFFF  }
0xac: {  	[dreg:$0x1] =	wrdreg $0xFFFFFFFF  }
0xad: {  	[dreg:$0x0] =	wrdreg $0x60  }
0xae: {  	[dreg:$0x2] =	wrdreg s24  }
0xaf: {  	[dreg:$0x3] =	wrdreg $0x9  }
0xb0: {  	_ =	task.clear_ibuf [dreg:s6], $0x4FFFF;
	_ =	strace $0x90000046  }
0xb1: {  	s29 =	simm.s32 $0x9;
	_ =	strace $0x8000004F  }
0xb2: {  	_ =	swait.ge [sflag:s29], $0x1  }
0xb3: {  	[sflag:s29] =	ssyncadd.s32 $0xFFFFFFFF  }
0xb4: {  	_ =	strace $0x9000004F  }
0xb5: {  	_ =	sfence  }
0xb6: {  	s30 =	sld [smem:$0x0];
	_ =	sdelay $0x2  }
0xb7: {  	s31 =	sshll.u32 s1, $0xD;
	s1 =	sshrl.u32 s1, $0x2  }
0xb8: {  	s3 =	sand.u32 $0x4000, s31;
	s1 =	sadd.s32 s1, s30  }
0xb9: {  	s0 =	sor.u32 s3, s0;
	s1 =	sshll.u32 s1, $0x11  }
0xba: {  	s0 =	sor.u32 s1, s0  }
0xbb: {  	s0 =	sadd.s32 $0x8F2B, s0  }
0xbc: {  	[sflag:s0] =	ssyncadd.remote.s32 $0x1  }
0xbd: {  	_ =	sfence.sel $0xFFFF  }
0xbe: {  	[dreg:$0x0] =	wrdreg $0xFFFFFFFF;
	(pc) =	sbr.abs _section_cstart, $3  }
0xbf: {  	[dreg:$0x1] =	wrdreg $0xFFFFFFFF  }
0xc0: {  	_ =	task.clear_ibuf [dreg:s6], $0x2FFFF;
	_ =	strace $0x9FFFFFFF  }
0xc1: {  	(tm) =	ssettm $0x7FFFFFFF  }
tec
execute0_lowered:
.L_overlay_start_1:
0x0: {  	(tag) =	ssettag $0x1  }
0x1: {  	s4 =	rddreg [dreg:$0x0];
	s1 =	srdreg.scid  }
0x2: {  	s0 =	rddreg [dreg:$0x1];
	s2 =	simm.s32 $0x0;
	s9 =	simm.s32 $0x1  }
0x3: {  	s10 =	simm.s32 $0x100;
	s11 =	simm.s32 $0x0;
	s5 =	sand.u32 $0x1, s1  }
0x4: {  	[smem:$0x7FF] =	sst s2;
	s1 =	stileid.u32;
	s6 =	sadd.s32 $0x2000, s4  }
0x5: {  	s8 =	sadd.s32 $0x4AA00, s4;
	s4 =	sadd.s32 $0x4A000, s4;
	s3 =	sshll.u32 s5, $0x4  }
0x6: {  	_ =	strace $0x80000047;
	[dreg:$0x2] =	wrdreg s6;
	s3 =	sor.u32 s1, s3  }
0x7: {  	[dreg:$0x4] =	wrdreg s8;
	s6 =	smul.u32 $0x3, s3;
	s7 =	sshll.u32 s3, $0x1  }
0x8: {  	s29 =	ssub.s32 $0x2, s5;
	p0 =	slt.u32 s3, $0x8;
	s3 =	sadd.s32 $0x8, s7  }
0x9: {  	s5 =	simm.s32 $0x3;
	[dreg:$0x3] =	wrdreg s10;
	s3 =	smov.u32 @p0 s6  }
0xa: {  	s10 =	simm.s32 $0x5;
	s31 =	sshrl.u32 s29, $0x1;
	s30 =	sshll.u32 s3, $0x5  }
0xb: {  	s8 =	ssub.s32 s29, s31;
	s5 =	simm.s32 @!p0 $0x2;
	s7 =	sand.u32 $0x1FFFFFE0, s30  }
0xc: {  	s8 =	smax.u32 s8, $0x1;
	s6 =	sadd.s32 s4, s7;
	s7 =	sadd.s32 $0xFFFFFFFF, s5  }
.LBB2_1:
0xd: {  	_ =	strace $0x80000048;
	p2 =	sne.s32 s5, $0x1  }
.Ltmp0:
0xe: {  	p0 =	seq.s32 s5, $0x1;
	s13 =	simm.s32 $0x1;
	(pc) =	sbr.rel @!p2 .LBB2_2-.Ltmp0, $4  }
0xf: {  	[tilespmem:s2], [sflag:$0x1] =	stream.linear.gather [hbm4b:s6+s2], $0x100, $0x200038;
	[tilespmem:$0x10200] =	vst v63  }
0x10: {  	s12 =	simm.s32 $0x1;
	p1 =	por $0x1, $0x1;
	s13 =	simm.s32 @p0 $0x0  }
0x11: {  	p6 =	sgt.u32 s7, $0x0;
	p4 =	por p1, p1;
	p3 =	sne.s32 s13, $0x0  }
0x12: {  	_ =	strace $0x90000048;
	p5 =	por !p6, !p3;
	p6 =	por $0x0, $0x0  }
0x13: {  	p2 =	por !p5, !p5  }
0x14: {  	s21 =	sand.u32 $0x1, s2;
	s19 =	simm.s32 $0x2;
	s14 =	sadd.s32 @p2 s3, s13  }
0x15: {  	p1 =	por p3, p3;
	s15 =	sand.u32 @p2 $0x1, s9;
	s14 =	sshll.u32 @p2 s14, $0x5  }
0x16: {  	_ =	strace @p2 $0x80000049;
	s17 =	simm.s32 @p2 $0x0;
	s14 =	sand.u32 @p2 $0x1FFFFFE0, s14  }
0x17: {  	s16 =	sshll.u32 @p2 s15, $0x8;
	s15 =	sadd.s32 @p2 $0x1, s15;
	s14 =	sadd.s32 @p2 s4, s14  }
0x18: {  	[tilespmem:s16], [sflag:s15] =	stream.linear.gather @p2 [hbm4b:s14+s17], $0x100, $0x200038;
	[tilespmem:$0x10200] =	vst v63  }
0x19: {  	s30 =	simm.s32 $0x0;
	p6 =	por $0x0, $0x0;
	_ =	strace @p2 $0x90000049  }
0x1a: {  	p0 =	sne.s32 s5, $0x2;
	s29 =	sadd.s32 $0x1, s21;
	_ =	strace $0x8000004A  }
0x1b: {  	s24 =	sadd.s32 $0x0, s3;
	p5 =	sgt.u32 s7, $0x1;
	_ =	swait.ge [sflag:s29], $0x100  }
0x1c: {  	s23 =	simm.s32 $0x1;
	s22 =	sshll.u32 s21, $0xF;
	[sflag:s29] =	ssyncset.done $0x0  }
0x1d: {  	s22 =	sor.u32 $0x200, s22;
	s16 =	sand.u32 @!p4 $0x1, s2;
	[sflag:s29] =	ssyncadd.s32 $0xFFFFFF00  }
0x1e: {  	s15 =	simm.s32 $0x1;
	s17 =	sadd.s32 $0x1, s13;
	_ =	strace $0x9000004A  }
0x1f: {  	s14 =	sand.u32 $0x100, s30;
	s15 =	simm.s32 @!p2 $0x0;
	_ =	strace $0x8000004B  }
0x20: {  	p2 =	por p4, p4;
	p4 =	por p6, p6;
	s20 =	rddreg [dreg:$0x3]  }
0x21: {  	p3 =	seq.s32 s17, s5;
	p6 =	seq.s32 s7, $0x0;
	s31 =	rddreg [dreg:$0x2]  }
0x22: {  	[tilespmem:s22], [sflag:$0x5] =	stream.indirect.gather [hbm4b:s31+s20], $0x80, s14, s20, $0x2000b8;
	[tilespmem:$0x10200] =	vst v63  }
.Ltmp1:
0x23: {  	s18 =	sadd.s32 $0x1, s15;
	s17 =	simm.s32 @p3 $0x0;
	(pc) =	sbr.rel @!p0 .LBB2_4-.Ltmp1, $4  }
0x24: {  	p1 =	por p6, p1;
	p6 =	por $0x0, $0x0;
	_ =	swait.ge [sflag:s10], $0x8000  }
0x25: {  	s15 =	simm.s32 $0x0;
	p3 =	sne.s32 s13, s17;
	[sflag:s10] =	ssyncset.done $0x0  }
0x26: {  	s23 =	simm.s32 @!p6 $0x0;
	p5 =	por !p5, !p3;
	[sflag:s10] =	ssyncadd.s32 $0xFFFF8000  }
0x27: {  	s14 =	simm.s32 $0x0;
	s20 =	simm.s32 $0x0;
	_ =	strace $0x9000004B  }
.LBB2_5:
0x28: {  	_ =	strace @p1 $0x8000004C;
	s14 =	sadd.s32 s23, s14;
	s23 =	smov.u32 s12  }
0x29: {  	s12 =	smov.u32 s19;
	s19 =	sadd.s32 $0x1, s19;
	p0 =	por p3, p3  }
0x2a: {  	s29 =	sshll.u32 @p1 s24, $0xC;
	s21 =	sadd.s32 @p1 $0x3, s21;
	s25 =	simm.s32 @!p0 $0x0  }
0x2b: {  	s26 =	rddreg [dreg:$0x4];
	s29 =	sand.u32 @p1 $0x1FFFF000, s29;
	s25 =	simm.s32 @p0 $0x1  }
0x2c: {  	s26 =	sadd.s32 @p1 s26, s29;
	s29 =	simm.s32 @p1 $0x0;
	p0 =	sne.s32 s5, s19  }
0x2d: {  	[hbm4b:s26+s29] =	stream.linear.scatter @p1 [tilespmem:s22], [sflag:s21], $0x8000, $0x200038;
	[tilespmem:$0x10200] =	vst v63  }
0x2e: {  	s21 =	sadd.s32 @!p2 $0x3, s16;
	s16 =	simm.s32 @!p0 $0x0  }
0x2f: {  	s28 =	simm.s32 $0x1;
	[smem:$0x7FC] =	sst s25;
	s16 =	simm.s32 @p0 $0x1  }
0x30: {  	s28 =	simm.s32 @!p1 $0x0;
	_ =	strace @p1 $0x9000004C;
	[smem:$0x7FD] =	sst s16  }
0x31: {  	s20 =	sadd.s32 s28, s20;
	s25 =	sand.u32 @!p4 $0x1, s14;
	_ =	strace @!p2 $0x8000004D  }
0x32: {  	p1 =	por !p5, !p5;
	s16 =	smov.u32 s25;
	_ =	swait.ge @!p2 [sflag:s21], $0x8000  }
0x33: {  	s22 =	sand.u32 @p1 $0x1, s18;
	s25 =	sadd.s32 @p1 s3, s17;
	[sflag:s21] =	ssyncset.done @!p2 $0x0  }
0x34: {  	s26 =	sshll.u32 @p1 s22, $0x8;
	s25 =	sshll.u32 @p1 s25, $0x5;
	[sflag:s21] =	ssyncadd.s32 @!p2 $0xFFFF8000  }
0x35: {  	s21 =	sadd.s32 @p1 $0x1, s22;
	s22 =	sand.u32 @p1 $0x1FFFFFE0, s25;
	_ =	strace @!p2 $0x9000004D  }
0x36: {  	s25 =	simm.s32 @p1 $0x0;
	s22 =	sadd.s32 @p1 s4, s22;
	_ =	strace @p1 $0x80000049  }
0x37: {  	[tilespmem:s26], [sflag:s21] =	stream.linear.gather @p1 [hbm4b:s22+s25], $0x100, $0x200038;
	[tilespmem:$0x10200] =	vst v63  }
0x38: {  	s15 =	sadd.s32 s28, s15;
	s28 =	sand.u32 $0x1, s20;
	_ =	strace @p1 $0x90000049  }
0x39: {  	s28 =	sadd.s32 $0x1, s28;
	_ =	strace $0x8000004A  }
0x3a: {  	_ =	swait.ge [sflag:s28], $0x100  }
0x3b: {  	[sflag:s28] =	ssyncset.done $0x0  }
0x3c: {  	s21 =	simm.s32 $0x1;
	[sflag:s28] =	ssyncadd.s32 $0xFFFFFF00  }
0x3d: {  	s21 =	simm.s32 @!p1 $0x0;
	_ =	strace $0x9000004A  }
0x3e: {  	s18 =	sadd.s32 s21, s18;
	s21 =	sand.u32 $0x1, s15;
	_ =	strace $0x8000004B  }
0x3f: {  	s31 =	sshll.u32 s20, $0x8;
	s29 =	sshll.u32 s21, $0xF;
	s25 =	rddreg [dreg:$0x3]  }
0x40: {  	s31 =	sand.u32 $0x100, s31;
	s22 =	sor.u32 $0x200, s29;
	s26 =	rddreg [dreg:$0x2]  }
0x41: {  	[tilespmem:s22], [sflag:$0x5] =	stream.indirect.gather [hbm4b:s26+s25], $0x80, s31, s25, $0x2000b8;
	[tilespmem:$0x10200] =	vst v63  }
0x42: {  	_ =	swait.ge [sflag:s10], $0x8000  }
0x43: {  	[sflag:s10] =	ssyncset.done $0x0  }
0x44: {  	[sflag:s10] =	ssyncadd.s32 $0xFFFF8000  }
0x45: {  	s30 =	sadd.s32 $0x1, s17;
	_ =	strace $0x9000004B  }
0x46: {  	s24 =	sadd.s32 s3, s13;
	s13 =	smov.u32 s17;
	s31 =	sld [smem:$0x7FD]  }
0x47: {  	p0 =	sne.s32 s23, $0x0;
	s17 =	smov.u32 s30;
	p1 =	seq.s32 s30, s5  }
0x48: {  	s17 =	simm.s32 @p1 $0x0;
	p1 =	seq.s32 s7, s23;
	s23 =	simm.s32 $0x1  }
0x49: {  	s23 =	simm.s32 @!p0 $0x0;
	p0 =	seq.s32 s31, $0x1  }
.Ltmp2:
0x4a: {  	s30 =	sld [smem:$0x7FC];
	(pc) =	sbr.rel @p0 .LBB2_5-.Ltmp2, $4  }
0x4b: {  	p3 =	seq.s32 s12, $0x0  }
0x4c: {  	p6 =	por p3, p3;
	p5 =	slt.u32 s12, s7  }
0x4d: {  	p2 =	por p4, p4;
	p3 =	sne.s32 s13, s17;
	p4 =	seq.s32 s30, $0x1  }
0x4e: {  	p5 =	por !p5, !p3;
	p1 =	por p1, p4;
	p4 =	por p6, p6  }
0x4f: {  	p6 =	por $0x1, $0x1  }
.LBB2_7:
0x50: {  	p0 =	por !p1, !p6  }
0x51: {  	s25 =	simm.s32 $0x1;
	_ =	strace @!p0 $0x8000004C;
	s24 =	sshll.u32 @!p0 s24, $0xC  }
0x52: {  	p2 =	por p2, !p6;
	s19 =	rddreg [dreg:$0x4];
	s24 =	sand.u32 @!p0 $0x1FFFF000, s24  }
0x53: {  	s21 =	sadd.s32 @!p0 $0x3, s21;
	s19 =	sadd.s32 @!p0 s19, s24;
	s24 =	simm.s32 @!p0 $0x0  }
0x54: {  	[hbm4b:s19+s24] =	stream.linear.scatter @!p0 [tilespmem:s22], [sflag:s21], $0x8000, $0x200038;
	[tilespmem:$0x10200] =	vst v63  }
0x55: {  	p1 =	por !p5, !p5;
	s25 =	simm.s32 @p0 $0x0;
	_ =	strace @!p0 $0x9000004C  }
0x56: {  	s16 =	sadd.s32 @!p2 $0x3, s16;
	s17 =	sadd.s32 @p1 s3, s17;
	_ =	strace @!p2 $0x8000004D  }
0x57: {  	s18 =	sand.u32 @p1 $0x1, s18;
	s17 =	sshll.u32 @p1 s17, $0x5;
	_ =	swait.ge @!p2 [sflag:s16], $0x8000  }
0x58: {  	s17 =	sand.u32 @p1 $0x1FFFFFE0, s17;
	s19 =	sadd.s32 @p6 s25, s20;
	[sflag:s16] =	ssyncset.done @!p2 $0x0  }
0x59: {  	s20 =	simm.s32 $0x0;
	s17 =	sadd.s32 @p1 s4, s17;
	[sflag:s16] =	ssyncadd.s32 @!p2 $0xFFFF8000  }
0x5a: {  	s20 =	smov.u32 @p6 s19;
	s19 =	sshll.u32 @p1 s18, $0x8;
	_ =	strace @!p2 $0x9000004D  }
0x5b: {  	s16 =	sadd.s32 @p1 $0x1, s18;
	s18 =	simm.s32 @p1 $0x0;
	_ =	strace @p1 $0x80000049  }
0x5c: {  	[tilespmem:s19], [sflag:s16] =	stream.linear.gather @p1 [hbm4b:s17+s18], $0x100, $0x200038;
	[tilespmem:$0x10200] =	vst v63  }
0x5d: {  	s26 =	sand.u32 $0x1, s20;
	_ =	strace @p1 $0x90000049  }
0x5e: {  	s16 =	sadd.s32 $0x1, s26;
	_ =	strace $0x8000004A  }
0x5f: {  	_ =	swait.ge [sflag:s16], $0x100  }
0x60: {  	[sflag:s16] =	ssyncset.done $0x0  }
0x61: {  	s15 =	sadd.s32 @p6 s25, s15;
	[sflag:s16] =	ssyncadd.s32 $0xFFFFFF00;
	s16 =	simm.s32 $0x0  }
0x62: {  	_ =	strace $0x9000004A;
	s16 =	smov.u32 @p6 s15  }
0x63: {  	_ =	strace $0x8000004B;
	s16 =	sand.u32 $0x1, s16  }
0x64: {  	s30 =	sshll.u32 s20, $0x8;
	s28 =	rddreg [dreg:$0x3];
	s31 =	sshll.u32 s16, $0xF  }
0x65: {  	s18 =	sand.u32 $0x100, s30;
	s29 =	rddreg [dreg:$0x2];
	s19 =	sor.u32 $0x200, s31  }
0x66: {  	[tilespmem:s19], [sflag:$0x5] =	stream.indirect.gather [hbm4b:s29+s28], $0x80, s18, s28, $0x2000b8;
	[tilespmem:$0x10200] =	vst v63  }
0x67: {  	_ =	swait.ge [sflag:s10], $0x8000  }
0x68: {  	p3 =	por p3, p3;
	[sflag:s10] =	ssyncset.done $0x0  }
0x69: {  	p5 =	seq.s32 s7, s12;
	s13 =	sadd.s32 s3, s13;
	[sflag:s10] =	ssyncadd.s32 $0xFFFF8000  }
0x6a: {  	s14 =	sadd.s32 @p6 s23, s14;
	p1 =	por p5, p3;
	_ =	strace $0x9000004B  }
0x6b: {  	s17 =	simm.s32 $0x0;
	s13 =	sshll.u32 @p1 s13, $0xC;
	_ =	strace @p1 $0x8000004C  }
0x6c: {  	s17 =	smov.u32 @p6 s14;
	s13 =	sand.u32 @p1 $0x1FFFF000, s13;
	s15 =	rddreg [dreg:$0x4]  }
0x6d: {  	s14 =	sadd.s32 @p1 $0x3, s16;
	s13 =	sadd.s32 @p1 s15, s13;
	s15 =	simm.s32 @p1 $0x0  }
0x6e: {  	[hbm4b:s13+s15] =	stream.linear.scatter @p1 [tilespmem:s19], [sflag:s14], $0x8000, $0x200038;
	[tilespmem:$0x10200] =	vst v63  }
0x6f: {  	p0 =	por p4, p4;
	s13 =	sand.u32 @!p4 $0x1, s17;
	_ =	strace @p1 $0x9000004C  }
0x70: {  	s13 =	sadd.s32 @!p0 $0x3, s13;
	_ =	strace @!p0 $0x8000004D  }
0x71: {  	p1 =	sne.s32 s12, $0x0;
	s12 =	simm.s32 $0x1;
	_ =	swait.ge @!p0 [sflag:s13], $0x8000  }
0x72: {  	s12 =	simm.s32 @!p1 $0x0;
	[sflag:s13] =	ssyncset.done @!p0 $0x0  }
0x73: {  	s11 =	sadd.s32 $0x1, s11;
	s12 =	sadd.s32 s12, s17;
	[sflag:s13] =	ssyncadd.s32 @!p0 $0xFFFF8000  }
0x74: {  	s12 =	sand.u32 $0x1, s12;
	_ =	strace @!p0 $0x9000004D;
	p0 =	sne.s32 s11, s8  }
.Ltmp3:
0x75: {  	s12 =	sadd.s32 $0x3, s12;
	_ =	strace $0x8000004E;
	(pc) =	sbr.rel @p0 .LBB2_1-.Ltmp3, $4  }
.Ltmp4:
0x76: {  	_ =	swait.ge [sflag:s12], $0x8000;
	(pc) =	sbr.rel @!p0 .LBB2_8-.Ltmp4, $4  }
0x77: {  	[sflag:s12] =	ssyncset.done $0x0  }
0x78: {  	[sflag:s12] =	ssyncadd.s32 $0xFFFF8000  }
0x79: {  	_ =	strace $0x9000004E  }
0x7a: {  	_ = 	snop  }
.LBB2_2:
.Ltmp5:
0x7b: {  	(pc) =	sbr.rel .LBB2_7-.Ltmp5, $4  }
0x7c: {  	_ = 	snop  }
0x7d: {  	s14 =	simm.s32 $0x0  }
0x7e: {  	s12 =	simm.s32 $0x0;
	s15 =	simm.s32 $0x0;
	s17 =	smov.u32 s13  }
0x7f: {  	s20 =	simm.s32 $0x0;
	s18 =	simm.s32 $0x1;
	s13 =	simm.s32 $0x0  }
.LBB2_4:
.Ltmp6:
0x80: {  	(pc) =	sbr.rel .LBB2_7-.Ltmp6, $3  }
0x81: {  	_ =	sdelay $0x1  }
0x82: {  	s14 =	simm.s32 $0x0  }
0x83: {  	s15 =	simm.s32 $0x0;
	s20 =	simm.s32 $0x0;
	p6 =	por $0x1, $0x1  }
.LBB2_8:
0x84: {  	_ =	sfence.sel $0x180000  }
0x85: {  	[bflag:$0x0] =	sbarrier.arrive $0xFFFF  }
0x86: {  	p0 =	sne.s32 s1, $0x0;
	_ =	strace $0x90000047  }
0x87: {  	s0 =	sadd.s32 @!p0 $0x100000, s0;
	[bflag:$0x2] =	sbarrier.arrive $0xFFFF  }
0x88: {  	[sflag:s0] =	ssyncadd.tile.s32 @!p0 $0x1;
	_ =	shalt  }
.Lfunc_end2:
_tile_overlayer_lowered:
.L_overlay_start_2:
0x89: {  	(tag) =	ssettag $0x2  }
0x8a: {  	s0 =	rddreg [dreg:$0x0];
	s2 =	stileid.u32  }
0x8b: {  	s1 =	rddreg [dreg:$0x1];
	p0 =	sne.s32 s2, $0x0  }
0x8c: {  	s3 =	rddreg [dreg:$0x2];
	[bflag:$0x3] =	sbarrier.arrive $0xFFFF;
	s2 =	simm.s32 @!p0 $0x1C01  }
0x8d: {  	[timem:s3], [sflag:s2] =	dma.local @!p0 [hbm:s0], s1  }
0x8e: {  	s0 =	simm.s32 @!p0 $0x1  }
0x8f: {  	_ =	swait.ge @!p0 [sflag:s0], s1  }
0x90: {  	s1 =	ssub.s32 @!p0 $0x0, s1;
	[sflag:s0] =	ssyncset.done @!p0 $0x0  }
0x91: {  	[sflag:s0] =	ssyncadd.s32 @!p0 s1  }
0x92: {  	[bflag:$0x3] =	sbarrier.arrive $0xFFFF  }
0x93: {  	_ =	shalt  }

</sc_bundles>
